<compile_context>
chip_gen: v7x
topology: tpu7x:2x2x1
jax: 0.10.2.dev20260603
libtpu: 0.0.44.dev20260713+nightly
codegen_flags: <defaults>
</compile_context>

<pallas_src>
import functools

import jax
import jax.numpy as jnp
from jax import lax
from jax.experimental import pallas as pl
from jax.experimental.pallas import tpu as pltpu
from jax.experimental.pallas import tpu_sc as plsc

_W = 128
_NBUF = 5
_LOOK = 2
_NW = 32


def kernel(idx, embed_weight):
    b, s = idx.shape
    n = b * s
    d = embed_weight.shape[1]
    per_w = n // _NW
    steps = per_w // _W
    flat_idx = idx.reshape(n // _W, _W).astype(jnp.int32)

    mesh = plsc.VectorSubcoreMesh(core_axis_name="c", subcore_axis_name="s")

    @functools.partial(
        pl.kernel,
        out_type=jax.ShapeDtypeStruct((n, d), embed_weight.dtype),
        mesh=mesh,
        scratch_types=[
            pltpu.VMEM((steps, _W), jnp.int32),
            pltpu.VMEM((_NBUF, _W, d), jnp.float32),
            pltpu.VMEM((_W, d), jnp.float32),
            pltpu.SemaphoreType.DMA((_NBUF,)),
            pltpu.SemaphoreType.DMA((_NBUF,)),
        ],
    )
    def sc_probe(table_hbm, idx_hbm, out_hbm, idx_v, rows_v, wbuf_v, gsem,
                 wsem):
        wid = lax.axis_index("s") * 2 + lax.axis_index("c")
        row0 = wid * per_w

        pltpu.sync_copy(idx_hbm.at[pl.ds(wid * steps, steps)], idx_v)

        def gather(chunk, buf):
            return pltpu.make_async_copy(
                table_hbm.at[idx_v.at[chunk]], rows_v.at[buf], gsem.at[buf])

        def writeback(chunk, buf):
            return pltpu.make_async_copy(
                wbuf_v, out_hbm.at[pl.ds(row0 + chunk * _W, _W)],
                wsem.at[buf])

        for j in range(_LOOK):
            gather(j, j).start()

        @pl.loop(0, steps, step=_NBUF)
        def _(g0):
            for j in range(_NBUF):
                g = g0 + j
                gather(g, j).wait()

                @pl.when(g >= _NBUF)
                def _():
                    writeback(g - _NBUF, j).wait()

                writeback(g, j).start()
                r = g + _LOOK
                rb = (j + _LOOK) % _NBUF

                @pl.when(r < steps)
                def _():
                    gather(r, rb).start()

        for j in range(_NBUF):
            writeback(steps - _NBUF + j, j).wait()

    return sc_probe(embed_weight, flat_idx).reshape(b, s, d)

# --- scband reference (transcript-rebuilt; emitter-appended) ---
"""Pipeline reference for scband-token-embedding-63840393888391 (READ-ONLY COPY).

The authoritative reference and input builder live on the scoring server;
editing this copy changes nothing except your own understanding.
"""

import jax, jax.numpy as jnp
import numpy as np

VOCAB_SIZE = 100000
N_EMBD = 128


def setup_inputs(seed: int = 0) -> dict:
    key = jax.random.key(seed)
    k_idx, k_tab = jax.random.split(key)
    idx = jax.random.randint(k_idx, (4096, 200), 0, VOCAB_SIZE, dtype=jnp.int64 if jax.config.jax_enable_x64 else jnp.int32)
    embed_weight = jax.random.normal(k_tab, (VOCAB_SIZE, N_EMBD), dtype=jnp.float32)
    return {"idx": idx, "embed_weight": embed_weight}


def reference(idx, embed_weight):
    # nn.Embedding forward: gather rows of the table by index
    return jnp.take(embed_weight, idx, axis=0)

if __name__ == "__main__":
    import jax
    _d = setup_inputs()
    print(jax.jit(kernel)(*tuple(_d.values())))

</pallas_src>

<mosaic_0001>
#map = affine_map<(d0, d1) -> (0, 0)>
module attributes {stable_mosaic.version = 14 : i64} {
  func.func @sc_probe(%arg0: i32, %arg1: i32, %arg2: memref<100000x128xf32, #tpu.memory_space<hbm>>, %arg3: memref<6400x128xi32, #tpu.memory_space<hbm>>, %arg4: memref<819200x128xf32, #tpu.memory_space<hbm>>, %arg5: memref<200x128xi32, #tpu.memory_space<vmem>>, %arg6: memref<5x128x128xf32, #tpu.memory_space<vmem>>, %arg7: memref<128x128xf32, #tpu.memory_space<vmem>>, %arg8: memref<5x!tpu.dma_semaphore, #tpu.memory_space<semaphore_mem>>, %arg9: memref<5x!tpu.dma_semaphore, #tpu.memory_space<semaphore_mem>>) attributes {dimension_semantics = [#tpu.dimension_semantics<core_parallel>, #tpu.dimension_semantics<subcore_parallel>], iteration_bounds = array<i64: 2, 16>, scalar_prefetch = 0 : i64, scratch_operands = 5 : i64, tpu.core_type = #tpu.core_type<sc_vector_subcore>, window_params = [{transform_indices = #map}, {transform_indices = #map}, {transform_indices = #map}]} {
    %mul3A = arith.constant 2 : i32
    %mul3A_0 = arith.muli %arg1, %mul3A : i32
    %add3A = arith.addi %mul3A_0, %arg0 : i32
    %mul3A_1 = arith.constant 25600 : i32
    %mul3A_2 = arith.muli %add3A, %mul3A_1 : i32
    %mul3A_3 = arith.constant 200 : i32
    %mul3A_4 = arith.muli %add3A, %mul3A_3 : i32
    "tpu.region"() ({
      %run_scoped3A = tpu.sem_alloc : memref<!tpu.dma_semaphore, #tpu.memory_space<semaphore_mem>>
      %dma_start3A_82 = arith.constant 0 : i32
      %dma_start3A_83 = tpu.memref_slice %arg3[%mul3A_4, %dma_start3A_82] : memref<6400x128xi32, #tpu.memory_space<hbm>> -> memref<200x128xi32, #tpu.memory_space<hbm>>
      %dma_start3A_84 = arith.constant 0 : i32
      %dma_start3A_85 = tpu.memref_slice %arg3[%mul3A_4, %dma_start3A_84] : memref<6400x128xi32, #tpu.memory_space<hbm>> -> memref<200x128xi32, #tpu.memory_space<hbm>>
      tpu.enqueue_dma source(%dma_start3A_85 : memref<200x128xi32, #tpu.memory_space<hbm>>) target(%arg5 : memref<200x128xi32, #tpu.memory_space<vmem>>) target_semaphore(%run_scoped3A : memref<!tpu.dma_semaphore, #tpu.memory_space<semaphore_mem>>)
      %dma_wait3A_86 = arith.constant 0 : i32
      %dma_wait3A_87 = tpu.memref_slice %arg3[%mul3A_4, %dma_wait3A_86] : memref<6400x128xi32, #tpu.memory_space<hbm>> -> memref<200x128xi32, #tpu.memory_space<hbm>>
      %dma_wait3A_88 = arith.constant 0 : i32
      %dma_wait3A_89 = tpu.memref_slice %arg3[%mul3A_4, %dma_wait3A_88] : memref<6400x128xi32, #tpu.memory_space<hbm>> -> memref<200x128xi32, #tpu.memory_space<hbm>>
      tpu.wait_dma2 semaphore(%run_scoped3A : memref<!tpu.dma_semaphore, #tpu.memory_space<semaphore_mem>>) src(%dma_wait3A_89 : memref<200x128xi32, #tpu.memory_space<hbm>>) dst(%arg5 : memref<200x128xi32, #tpu.memory_space<vmem>>)
      tpu.yield
    }) : () -> ()
    %dma_start3A = arith.constant 0 : i32
    %dma_start3A_5 = arith.constant 0 : i32
    %dma_start3A_6 = arith.constant 0 : i32
    %dma_start3A_7 = arith.constant 0 : i32
    %dma_start3A_8 = arith.constant 0 : i32
    %dma_start3A_9 = tpu.memref_slice %arg6[%dma_start3A_5, %dma_start3A_7, %dma_start3A_8] : memref<5x128x128xf32, #tpu.memory_space<vmem>> -> memref<1x128x128xf32, #tpu.memory_space<vmem>>
    %dma_start3A_10 = tpu.memref_squeeze %dma_start3A_9 : memref<1x128x128xf32, #tpu.memory_space<vmem>> -> memref<128x128xf32, #tpu.memory_space<vmem>>
    %dma_start3A_11 = arith.constant 0 : i32
    %dma_start3A_12 = tpu.memref_slice %arg5[%dma_start3A, %dma_start3A_11] : memref<200x128xi32, #tpu.memory_space<vmem>> -> memref<1x128xi32, #tpu.memory_space<vmem>>
    %dma_start3A_13 = tpu.memref_squeeze %dma_start3A_12 : memref<1x128xi32, #tpu.memory_space<vmem>> -> memref<128xi32, #tpu.memory_space<vmem>>
    %dma_start3A_14 = arith.constant 0 : i32
    %dma_start3A_15 = arith.constant 0 : i32
    %dma_start3A_16 = tpu.memref_slice %arg2[%dma_start3A_14, %dma_start3A_15] : memref<100000x128xf32, #tpu.memory_space<hbm>> -> memref<100000x128xf32, #tpu.memory_space<hbm>>
    %dma_start3A_17 = tpu.memref_slice %arg8[%dma_start3A_6] : memref<5x!tpu.dma_semaphore, #tpu.memory_space<semaphore_mem>> -> memref<1x!tpu.dma_semaphore, #tpu.memory_space<semaphore_mem>>
    %dma_start3A_18 = tpu.memref_squeeze %dma_start3A_17 : memref<1x!tpu.dma_semaphore, #tpu.memory_space<semaphore_mem>> -> memref<!tpu.dma_semaphore, #tpu.memory_space<semaphore_mem>>
    tpu.enqueue_indirect_dma source(%dma_start3A_16 : memref<100000x128xf32, #tpu.memory_space<hbm>>) target(%dma_start3A_10 : memref<128x128xf32, #tpu.memory_space<vmem>>) offsets(%dma_start3A_13 : memref<128xi32, #tpu.memory_space<vmem>>) semaphore(%dma_start3A_18 : memref<!tpu.dma_semaphore, #tpu.memory_space<semaphore_mem>>)
    %dma_start3A_19 = arith.constant 1 : i32
    %dma_start3A_20 = arith.constant 1 : i32
    %dma_start3A_21 = arith.constant 1 : i32
    %dma_start3A_22 = arith.constant 0 : i32
    %dma_start3A_23 = arith.constant 0 : i32
    %dma_start3A_24 = tpu.memref_slice %arg6[%dma_start3A_20, %dma_start3A_22, %dma_start3A_23] : memref<5x128x128xf32, #tpu.memory_space<vmem>> -> memref<1x128x128xf32, #tpu.memory_space<vmem>>
    %dma_start3A_25 = tpu.memref_squeeze %dma_start3A_24 : memref<1x128x128xf32, #tpu.memory_space<vmem>> -> memref<128x128xf32, #tpu.memory_space<vmem>>
    %dma_start3A_26 = arith.constant 0 : i32
    %dma_start3A_27 = tpu.memref_slice %arg5[%dma_start3A_19, %dma_start3A_26] : memref<200x128xi32, #tpu.memory_space<vmem>> -> memref<1x128xi32, #tpu.memory_space<vmem>>
    %dma_start3A_28 = tpu.memref_squeeze %dma_start3A_27 : memref<1x128xi32, #tpu.memory_space<vmem>> -> memref<128xi32, #tpu.memory_space<vmem>>
    %dma_start3A_29 = arith.constant 0 : i32
    %dma_start3A_30 = arith.constant 0 : i32
    %dma_start3A_31 = tpu.memref_slice %arg2[%dma_start3A_29, %dma_start3A_30] : memref<100000x128xf32, #tpu.memory_space<hbm>> -> memref<100000x128xf32, #tpu.memory_space<hbm>>
    %dma_start3A_32 = tpu.memref_slice %arg8[%dma_start3A_21] : memref<5x!tpu.dma_semaphore, #tpu.memory_space<semaphore_mem>> -> memref<1x!tpu.dma_semaphore, #tpu.memory_space<semaphore_mem>>
    %dma_start3A_33 = tpu.memref_squeeze %dma_start3A_32 : memref<1x!tpu.dma_semaphore, #tpu.memory_space<semaphore_mem>> -> memref<!tpu.dma_semaphore, #tpu.memory_space<semaphore_mem>>
    tpu.enqueue_indirect_dma source(%dma_start3A_31 : memref<100000x128xf32, #tpu.memory_space<hbm>>) target(%dma_start3A_25 : memref<128x128xf32, #tpu.memory_space<vmem>>) offsets(%dma_start3A_28 : memref<128xi32, #tpu.memory_space<vmem>>) semaphore(%dma_start3A_33 : memref<!tpu.dma_semaphore, #tpu.memory_space<semaphore_mem>>)
    %scan3A = arith.constant 0 : i32
    %scan3A_34 = arith.constant 40 : i32
    %scan3A_35 = arith.addi %scan3A, %scan3A_34 : i32
    %scan3A_36 = arith.constant 1 : i32
    scf.for %scan3A_82 = %scan3A to %scan3A_35 step %scan3A_36  : i32 {
      %mul3A_83 = arith.constant 5 : i32
      %mul3A_84 = arith.muli %scan3A_82, %mul3A_83 : i32
      %add3A_85 = arith.constant 0 : i32
      %add3A_86 = arith.addi %add3A_85, %mul3A_84 : i32
      %add3A_87 = arith.constant 0 : i32
      %add3A_88 = arith.addi %add3A_86, %add3A_87 : i32
      %dma_wait3A_89 = arith.constant 0 : i32
      %dma_wait3A_90 = arith.constant 0 : i32
      %dma_wait3A_91 = arith.constant 0 : i32
      %dma_wait3A_92 = arith.constant 0 : i32
      %dma_wait3A_93 = tpu.memref_slice %arg6[%dma_wait3A_89, %dma_wait3A_91, %dma_wait3A_92] : memref<5x128x128xf32, #tpu.memory_space<vmem>> -> memref<1x128x128xf32, #tpu.memory_space<vmem>>
      %dma_wait3A_94 = tpu.memref_squeeze %dma_wait3A_93 : memref<1x128x128xf32, #tpu.memory_space<vmem>> -> memref<128x128xf32, #tpu.memory_space<vmem>>
      %dma_wait3A_95 = arith.constant 0 : i32
      %dma_wait3A_96 = tpu.memref_slice %arg5[%add3A_88, %dma_wait3A_95] : memref<200x128xi32, #tpu.memory_space<vmem>> -> memref<1x128xi32, #tpu.memory_space<vmem>>
      %dma_wait3A_97 = tpu.memref_squeeze %dma_wait3A_96 : memref<1x128xi32, #tpu.memory_space<vmem>> -> memref<128xi32, #tpu.memory_space<vmem>>
      %dma_wait3A_98 = arith.constant 0 : i32
      %dma_wait3A_99 = arith.constant 0 : i32
      %dma_wait3A_100 = tpu.memref_slice %arg2[%dma_wait3A_98, %dma_wait3A_99] : memref<100000x128xf32, #tpu.memory_space<hbm>> -> memref<100000x128xf32, #tpu.memory_space<hbm>>
      %dma_wait3A_101 = tpu.memref_slice %arg8[%dma_wait3A_90] : memref<5x!tpu.dma_semaphore, #tpu.memory_space<semaphore_mem>> -> memref<1x!tpu.dma_semaphore, #tpu.memory_space<semaphore_mem>>
      %dma_wait3A_102 = tpu.memref_squeeze %dma_wait3A_101 : memref<1x!tpu.dma_semaphore, #tpu.memory_space<semaphore_mem>> -> memref<!tpu.dma_semaphore, #tpu.memory_space<semaphore_mem>>
      tpu.wait_indirect_dma semaphore(%dma_wait3A_102 : memref<!tpu.dma_semaphore, #tpu.memory_space<semaphore_mem>>) src(%dma_wait3A_100 : memref<100000x128xf32, #tpu.memory_space<hbm>>) dst(%dma_wait3A_94 : memref<128x128xf32, #tpu.memory_space<vmem>>)
      %ge3A = arith.constant 5 : i32
      %ge3A_103 = arith.cmpi sge, %add3A_88, %ge3A : i32
      %convert_element_type3A = arith.extui %ge3A_103 : i1 to i32
      %cond3A = arith.constant 0 : i32
      %cond3A_104 = arith.cmpi ne, %convert_element_type3A, %cond3A : i32
      scf.if %cond3A_104 {
        %sub3A = arith.constant 5 : i32
        %sub3A_273 = arith.subi %add3A_88, %sub3A : i32
        %mul3A_274 = arith.constant 128 : i32
        %mul3A_275 = arith.muli %sub3A_273, %mul3A_274 : i32
        %add3A_276 = arith.addi %mul3A_2, %mul3A_275 : i32
        %dma_wait3A_277 = arith.constant 0 : i32
        %dma_wait3A_278 = arith.constant 0 : i32
        %dma_wait3A_279 = tpu.memref_slice %arg4[%add3A_276, %dma_wait3A_278] : memref<819200x128xf32, #tpu.memory_space<hbm>> -> memref<128x128xf32, #tpu.memory_space<hbm>>
        %dma_wait3A_280 = tpu.memref_slice %arg9[%dma_wait3A_277] : memref<5x!tpu.dma_semaphore, #tpu.memory_space<semaphore_mem>> -> memref<1x!tpu.dma_semaphore, #tpu.memory_space<semaphore_mem>>
        %dma_wait3A_281 = tpu.memref_squeeze %dma_wait3A_280 : memref<1x!tpu.dma_semaphore, #tpu.memory_space<semaphore_mem>> -> memref<!tpu.dma_semaphore, #tpu.memory_space<semaphore_mem>>
        %dma_wait3A_282 = arith.constant 0 : i32
        %dma_wait3A_283 = tpu.memref_slice %arg4[%add3A_276, %dma_wait3A_282] : memref<819200x128xf32, #tpu.memory_space<hbm>> -> memref<128x128xf32, #tpu.memory_space<hbm>>
        tpu.wait_dma2 semaphore(%dma_wait3A_281 : memref<!tpu.dma_semaphore, #tpu.memory_space<semaphore_mem>>) src(%arg7 : memref<128x128xf32, #tpu.memory_space<vmem>>) dst(%dma_wait3A_283 : memref<128x128xf32, #tpu.memory_space<hbm>>)
      } else {
      }
      %mul3A_105 = arith.constant 128 : i32
      %mul3A_106 = arith.muli %add3A_88, %mul3A_105 : i32
      %add3A_107 = arith.addi %mul3A_2, %mul3A_106 : i32
      %dma_start3A_108 = arith.constant 0 : i32
      %dma_start3A_109 = arith.constant 0 : i32
      %dma_start3A_110 = tpu.memref_slice %arg4[%add3A_107, %dma_start3A_109] : memref<819200x128xf32, #tpu.memory_space<hbm>> -> memref<128x128xf32, #tpu.memory_space<hbm>>
      %dma_start3A_111 = tpu.memref_slice %arg9[%dma_start3A_108] : memref<5x!tpu.dma_semaphore, #tpu.memory_space<semaphore_mem>> -> memref<1x!tpu.dma_semaphore, #tpu.memory_space<semaphore_mem>>
      %dma_start3A_112 = tpu.memref_squeeze %dma_start3A_111 : memref<1x!tpu.dma_semaphore, #tpu.memory_space<semaphore_mem>> -> memref<!tpu.dma_semaphore, #tpu.memory_space<semaphore_mem>>
      %dma_start3A_113 = arith.constant 0 : i32
      %dma_start3A_114 = tpu.memref_slice %arg4[%add3A_107, %dma_start3A_113] : memref<819200x128xf32, #tpu.memory_space<hbm>> -> memref<128x128xf32, #tpu.memory_space<hbm>>
      tpu.enqueue_dma source(%arg7 : memref<128x128xf32, #tpu.memory_space<vmem>>) target(%dma_start3A_114 : memref<128x128xf32, #tpu.memory_space<hbm>>) target_semaphore(%dma_start3A_112 : memref<!tpu.dma_semaphore, #tpu.memory_space<semaphore_mem>>)
      %add3A_115 = arith.constant 2 : i32
      %add3A_116 = arith.addi %add3A_88, %add3A_115 : i32
      %lt3A = arith.constant 200 : i32
      %lt3A_117 = arith.cmpi slt, %add3A_116, %lt3A : i32
      %convert_element_type3A_118 = arith.extui %lt3A_117 : i1 to i32
      %cond3A_119 = arith.constant 0 : i32
      %cond3A_120 = arith.cmpi ne, %convert_element_type3A_118, %cond3A_119 : i32
      scf.if %cond3A_120 {
        %dma_start3A_273 = arith.constant 2 : i32
        %dma_start3A_274 = arith.constant 2 : i32
        %dma_start3A_275 = arith.constant 0 : i32
        %dma_start3A_276 = arith.constant 0 : i32
        %dma_start3A_277 = tpu.memref_slice %arg6[%dma_start3A_273, %dma_start3A_275, %dma_start3A_276] : memref<5x128x128xf32, #tpu.memory_space<vmem>> -> memref<1x128x128xf32, #tpu.memory_space<vmem>>
        %dma_start3A_278 = tpu.memref_squeeze %dma_start3A_277 : memref<1x128x128xf32, #tpu.memory_space<vmem>> -> memref<128x128xf32, #tpu.memory_space<vmem>>
        %dma_start3A_279 = arith.constant 0 : i32
        %dma_start3A_280 = tpu.memref_slice %arg5[%add3A_116, %dma_start3A_279] : memref<200x128xi32, #tpu.memory_space<vmem>> -> memref<1x128xi32, #tpu.memory_space<vmem>>
        %dma_start3A_281 = tpu.memref_squeeze %dma_start3A_280 : memref<1x128xi32, #tpu.memory_space<vmem>> -> memref<128xi32, #tpu.memory_space<vmem>>
        %dma_start3A_282 = arith.constant 0 : i32
        %dma_start3A_283 = arith.constant 0 : i32
        %dma_start3A_284 = tpu.memref_slice %arg2[%dma_start3A_282, %dma_start3A_283] : memref<100000x128xf32, #tpu.memory_space<hbm>> -> memref<100000x128xf32, #tpu.memory_space<hbm>>
        %dma_start3A_285 = tpu.memref_slice %arg8[%dma_start3A_274] : memref<5x!tpu.dma_semaphore, #tpu.memory_space<semaphore_mem>> -> memref<1x!tpu.dma_semaphore, #tpu.memory_space<semaphore_mem>>
        %dma_start3A_286 = tpu.memref_squeeze %dma_start3A_285 : memref<1x!tpu.dma_semaphore, #tpu.memory_space<semaphore_mem>> -> memref<!tpu.dma_semaphore, #tpu.memory_space<semaphore_mem>>
        tpu.enqueue_indirect_dma source(%dma_start3A_284 : memref<100000x128xf32, #tpu.memory_space<hbm>>) target(%dma_start3A_278 : memref<128x128xf32, #tpu.memory_space<vmem>>) offsets(%dma_start3A_281 : memref<128xi32, #tpu.memory_space<vmem>>) semaphore(%dma_start3A_286 : memref<!tpu.dma_semaphore, #tpu.memory_space<semaphore_mem>>)
      } else {
      }
      %add3A_121 = arith.constant 1 : i32
      %add3A_122 = arith.addi %add3A_86, %add3A_121 : i32
      %dma_wait3A_123 = arith.constant 1 : i32
      %dma_wait3A_124 = arith.constant 1 : i32
      %dma_wait3A_125 = arith.constant 0 : i32
      %dma_wait3A_126 = arith.constant 0 : i32
      %dma_wait3A_127 = tpu.memref_slice %arg6[%dma_wait3A_123, %dma_wait3A_125, %dma_wait3A_126] : memref<5x128x128xf32, #tpu.memory_space<vmem>> -> memref<1x128x128xf32, #tpu.memory_space<vmem>>
      %dma_wait3A_128 = tpu.memref_squeeze %dma_wait3A_127 : memref<1x128x128xf32, #tpu.memory_space<vmem>> -> memref<128x128xf32, #tpu.memory_space<vmem>>
      %dma_wait3A_129 = arith.constant 0 : i32
      %dma_wait3A_130 = tpu.memref_slice %arg5[%add3A_122, %dma_wait3A_129] : memref<200x128xi32, #tpu.memory_space<vmem>> -> memref<1x128xi32, #tpu.memory_space<vmem>>
      %dma_wait3A_131 = tpu.memref_squeeze %dma_wait3A_130 : memref<1x128xi32, #tpu.memory_space<vmem>> -> memref<128xi32, #tpu.memory_space<vmem>>
      %dma_wait3A_132 = arith.constant 0 : i32
      %dma_wait3A_133 = arith.constant 0 : i32
      %dma_wait3A_134 = tpu.memref_slice %arg2[%dma_wait3A_132, %dma_wait3A_133] : memref<100000x128xf32, #tpu.memory_space<hbm>> -> memref<100000x128xf32, #tpu.memory_space<hbm>>
      %dma_wait3A_135 = tpu.memref_slice %arg8[%dma_wait3A_124] : memref<5x!tpu.dma_semaphore, #tpu.memory_space<semaphore_mem>> -> memref<1x!tpu.dma_semaphore, #tpu.memory_space<semaphore_mem>>
      %dma_wait3A_136 = tpu.memref_squeeze %dma_wait3A_135 : memref<1x!tpu.dma_semaphore, #tpu.memory_space<semaphore_mem>> -> memref<!tpu.dma_semaphore, #tpu.memory_space<semaphore_mem>>
      tpu.wait_indirect_dma semaphore(%dma_wait3A_136 : memref<!tpu.dma_semaphore, #tpu.memory_space<semaphore_mem>>) src(%dma_wait3A_134 : memref<100000x128xf32, #tpu.memory_space<hbm>>) dst(%dma_wait3A_128 : memref<128x128xf32, #tpu.memory_space<vmem>>)
      %ge3A_137 = arith.constant 5 : i32
      %ge3A_138 = arith.cmpi sge, %add3A_122, %ge3A_137 : i32
      %convert_element_type3A_139 = arith.extui %ge3A_138 : i1 to i32
      %cond3A_140 = arith.constant 0 : i32
      %cond3A_141 = arith.cmpi ne, %convert_element_type3A_139, %cond3A_140 : i32
      scf.if %cond3A_141 {
        %sub3A = arith.constant 5 : i32
        %sub3A_273 = arith.subi %add3A_122, %sub3A : i32
        %mul3A_274 = arith.constant 128 : i32
        %mul3A_275 = arith.muli %sub3A_273, %mul3A_274 : i32
        %add3A_276 = arith.addi %mul3A_2, %mul3A_275 : i32
        %dma_wait3A_277 = arith.constant 1 : i32
        %dma_wait3A_278 = arith.constant 0 : i32
        %dma_wait3A_279 = tpu.memref_slice %arg4[%add3A_276, %dma_wait3A_278] : memref<819200x128xf32, #tpu.memory_space<hbm>> -> memref<128x128xf32, #tpu.memory_space<hbm>>
        %dma_wait3A_280 = tpu.memref_slice %arg9[%dma_wait3A_277] : memref<5x!tpu.dma_semaphore, #tpu.memory_space<semaphore_mem>> -> memref<1x!tpu.dma_semaphore, #tpu.memory_space<semaphore_mem>>
        %dma_wait3A_281 = tpu.memref_squeeze %dma_wait3A_280 : memref<1x!tpu.dma_semaphore, #tpu.memory_space<semaphore_mem>> -> memref<!tpu.dma_semaphore, #tpu.memory_space<semaphore_mem>>
        %dma_wait3A_282 = arith.constant 0 : i32
        %dma_wait3A_283 = tpu.memref_slice %arg4[%add3A_276, %dma_wait3A_282] : memref<819200x128xf32, #tpu.memory_space<hbm>> -> memref<128x128xf32, #tpu.memory_space<hbm>>
        tpu.wait_dma2 semaphore(%dma_wait3A_281 : memref<!tpu.dma_semaphore, #tpu.memory_space<semaphore_mem>>) src(%arg7 : memref<128x128xf32, #tpu.memory_space<vmem>>) dst(%dma_wait3A_283 : memref<128x128xf32, #tpu.memory_space<hbm>>)
      } else {
      }
      %mul3A_142 = arith.constant 128 : i32
      %mul3A_143 = arith.muli %add3A_122, %mul3A_142 : i32
      %add3A_144 = arith.addi %mul3A_2, %mul3A_143 : i32
      %dma_start3A_145 = arith.constant 1 : i32
      %dma_start3A_146 = arith.constant 0 : i32
      %dma_start3A_147 = tpu.memref_slice %arg4[%add3A_144, %dma_start3A_146] : memref<819200x128xf32, #tpu.memory_space<hbm>> -> memref<128x128xf32, #tpu.memory_space<hbm>>
      %dma_start3A_148 = tpu.memref_slice %arg9[%dma_start3A_145] : memref<5x!tpu.dma_semaphore, #tpu.memory_space<semaphore_mem>> -> memref<1x!tpu.dma_semaphore, #tpu.memory_space<semaphore_mem>>
      %dma_start3A_149 = tpu.memref_squeeze %dma_start3A_148 : memref<1x!tpu.dma_semaphore, #tpu.memory_space<semaphore_mem>> -> memref<!tpu.dma_semaphore, #tpu.memory_space<semaphore_mem>>
      %dma_start3A_150 = arith.constant 0 : i32
      %dma_start3A_151 = tpu.memref_slice %arg4[%add3A_144, %dma_start3A_150] : memref<819200x128xf32, #tpu.memory_space<hbm>> -> memref<128x128xf32, #tpu.memory_space<hbm>>
      tpu.enqueue_dma source(%arg7 : memref<128x128xf32, #tpu.memory_space<vmem>>) target(%dma_start3A_151 : memref<128x128xf32, #tpu.memory_space<hbm>>) target_semaphore(%dma_start3A_149 : memref<!tpu.dma_semaphore, #tpu.memory_space<semaphore_mem>>)
      %add3A_152 = arith.constant 2 : i32
      %add3A_153 = arith.addi %add3A_122, %add3A_152 : i32
      %lt3A_154 = arith.constant 200 : i32
      %lt3A_155 = arith.cmpi slt, %add3A_153, %lt3A_154 : i32
      %convert_element_type3A_156 = arith.extui %lt3A_155 : i1 to i32
      %cond3A_157 = arith.constant 0 : i32
      %cond3A_158 = arith.cmpi ne, %convert_element_type3A_156, %cond3A_157 : i32
      scf.if %cond3A_158 {
        %dma_start3A_273 = arith.constant 3 : i32
        %dma_start3A_274 = arith.constant 3 : i32
        %dma_start3A_275 = arith.constant 0 : i32
        %dma_start3A_276 = arith.constant 0 : i32
        %dma_start3A_277 = tpu.memref_slice %arg6[%dma_start3A_273, %dma_start3A_275, %dma_start3A_276] : memref<5x128x128xf32, #tpu.memory_space<vmem>> -> memref<1x128x128xf32, #tpu.memory_space<vmem>>
        %dma_start3A_278 = tpu.memref_squeeze %dma_start3A_277 : memref<1x128x128xf32, #tpu.memory_space<vmem>> -> memref<128x128xf32, #tpu.memory_space<vmem>>
        %dma_start3A_279 = arith.constant 0 : i32
        %dma_start3A_280 = tpu.memref_slice %arg5[%add3A_153, %dma_start3A_279] : memref<200x128xi32, #tpu.memory_space<vmem>> -> memref<1x128xi32, #tpu.memory_space<vmem>>
        %dma_start3A_281 = tpu.memref_squeeze %dma_start3A_280 : memref<1x128xi32, #tpu.memory_space<vmem>> -> memref<128xi32, #tpu.memory_space<vmem>>
        %dma_start3A_282 = arith.constant 0 : i32
        %dma_start3A_283 = arith.constant 0 : i32
        %dma_start3A_284 = tpu.memref_slice %arg2[%dma_start3A_282, %dma_start3A_283] : memref<100000x128xf32, #tpu.memory_space<hbm>> -> memref<100000x128xf32, #tpu.memory_space<hbm>>
        %dma_start3A_285 = tpu.memref_slice %arg8[%dma_start3A_274] : memref<5x!tpu.dma_semaphore, #tpu.memory_space<semaphore_mem>> -> memref<1x!tpu.dma_semaphore, #tpu.memory_space<semaphore_mem>>
        %dma_start3A_286 = tpu.memref_squeeze %dma_start3A_285 : memref<1x!tpu.dma_semaphore, #tpu.memory_space<semaphore_mem>> -> memref<!tpu.dma_semaphore, #tpu.memory_space<semaphore_mem>>
        tpu.enqueue_indirect_dma source(%dma_start3A_284 : memref<100000x128xf32, #tpu.memory_space<hbm>>) target(%dma_start3A_278 : memref<128x128xf32, #tpu.memory_space<vmem>>) offsets(%dma_start3A_281 : memref<128xi32, #tpu.memory_space<vmem>>) semaphore(%dma_start3A_286 : memref<!tpu.dma_semaphore, #tpu.memory_space<semaphore_mem>>)
      } else {
      }
      %add3A_159 = arith.constant 2 : i32
      %add3A_160 = arith.addi %add3A_86, %add3A_159 : i32
      %dma_wait3A_161 = arith.constant 2 : i32
      %dma_wait3A_162 = arith.constant 2 : i32
      %dma_wait3A_163 = arith.constant 0 : i32
      %dma_wait3A_164 = arith.constant 0 : i32
      %dma_wait3A_165 = tpu.memref_slice %arg6[%dma_wait3A_161, %dma_wait3A_163, %dma_wait3A_164] : memref<5x128x128xf32, #tpu.memory_space<vmem>> -> memref<1x128x128xf32, #tpu.memory_space<vmem>>
      %dma_wait3A_166 = tpu.memref_squeeze %dma_wait3A_165 : memref<1x128x128xf32, #tpu.memory_space<vmem>> -> memref<128x128xf32, #tpu.memory_space<vmem>>
      %dma_wait3A_167 = arith.constant 0 : i32
      %dma_wait3A_168 = tpu.memref_slice %arg5[%add3A_160, %dma_wait3A_167] : memref<200x128xi32, #tpu.memory_space<vmem>> -> memref<1x128xi32, #tpu.memory_space<vmem>>
      %dma_wait3A_169 = tpu.memref_squeeze %dma_wait3A_168 : memref<1x128xi32, #tpu.memory_space<vmem>> -> memref<128xi32, #tpu.memory_space<vmem>>
      %dma_wait3A_170 = arith.constant 0 : i32
      %dma_wait3A_171 = arith.constant 0 : i32
      %dma_wait3A_172 = tpu.memref_slice %arg2[%dma_wait3A_170, %dma_wait3A_171] : memref<100000x128xf32, #tpu.memory_space<hbm>> -> memref<100000x128xf32, #tpu.memory_space<hbm>>
      %dma_wait3A_173 = tpu.memref_slice %arg8[%dma_wait3A_162] : memref<5x!tpu.dma_semaphore, #tpu.memory_space<semaphore_mem>> -> memref<1x!tpu.dma_semaphore, #tpu.memory_space<semaphore_mem>>
      %dma_wait3A_174 = tpu.memref_squeeze %dma_wait3A_173 : memref<1x!tpu.dma_semaphore, #tpu.memory_space<semaphore_mem>> -> memref<!tpu.dma_semaphore, #tpu.memory_space<semaphore_mem>>
      tpu.wait_indirect_dma semaphore(%dma_wait3A_174 : memref<!tpu.dma_semaphore, #tpu.memory_space<semaphore_mem>>) src(%dma_wait3A_172 : memref<100000x128xf32, #tpu.memory_space<hbm>>) dst(%dma_wait3A_166 : memref<128x128xf32, #tpu.memory_space<vmem>>)
      %ge3A_175 = arith.constant 5 : i32
      %ge3A_176 = arith.cmpi sge, %add3A_160, %ge3A_175 : i32
      %convert_element_type3A_177 = arith.extui %ge3A_176 : i1 to i32
      %cond3A_178 = arith.constant 0 : i32
      %cond3A_179 = arith.cmpi ne, %convert_element_type3A_177, %cond3A_178 : i32
      scf.if %cond3A_179 {
        %sub3A = arith.constant 5 : i32
        %sub3A_273 = arith.subi %add3A_160, %sub3A : i32
        %mul3A_274 = arith.constant 128 : i32
        %mul3A_275 = arith.muli %sub3A_273, %mul3A_274 : i32
        %add3A_276 = arith.addi %mul3A_2, %mul3A_275 : i32
        %dma_wait3A_277 = arith.constant 2 : i32
        %dma_wait3A_278 = arith.constant 0 : i32
        %dma_wait3A_279 = tpu.memref_slice %arg4[%add3A_276, %dma_wait3A_278] : memref<819200x128xf32, #tpu.memory_space<hbm>> -> memref<128x128xf32, #tpu.memory_space<hbm>>
        %dma_wait3A_280 = tpu.memref_slice %arg9[%dma_wait3A_277] : memref<5x!tpu.dma_semaphore, #tpu.memory_space<semaphore_mem>> -> memref<1x!tpu.dma_semaphore, #tpu.memory_space<semaphore_mem>>
        %dma_wait3A_281 = tpu.memref_squeeze %dma_wait3A_280 : memref<1x!tpu.dma_semaphore, #tpu.memory_space<semaphore_mem>> -> memref<!tpu.dma_semaphore, #tpu.memory_space<semaphore_mem>>
        %dma_wait3A_282 = arith.constant 0 : i32
        %dma_wait3A_283 = tpu.memref_slice %arg4[%add3A_276, %dma_wait3A_282] : memref<819200x128xf32, #tpu.memory_space<hbm>> -> memref<128x128xf32, #tpu.memory_space<hbm>>
        tpu.wait_dma2 semaphore(%dma_wait3A_281 : memref<!tpu.dma_semaphore, #tpu.memory_space<semaphore_mem>>) src(%arg7 : memref<128x128xf32, #tpu.memory_space<vmem>>) dst(%dma_wait3A_283 : memref<128x128xf32, #tpu.memory_space<hbm>>)
      } else {
      }
      %mul3A_180 = arith.constant 128 : i32
      %mul3A_181 = arith.muli %add3A_160, %mul3A_180 : i32
      %add3A_182 = arith.addi %mul3A_2, %mul3A_181 : i32
      %dma_start3A_183 = arith.constant 2 : i32
      %dma_start3A_184 = arith.constant 0 : i32
      %dma_start3A_185 = tpu.memref_slice %arg4[%add3A_182, %dma_start3A_184] : memref<819200x128xf32, #tpu.memory_space<hbm>> -> memref<128x128xf32, #tpu.memory_space<hbm>>
      %dma_start3A_186 = tpu.memref_slice %arg9[%dma_start3A_183] : memref<5x!tpu.dma_semaphore, #tpu.memory_space<semaphore_mem>> -> memref<1x!tpu.dma_semaphore, #tpu.memory_space<semaphore_mem>>
      %dma_start3A_187 = tpu.memref_squeeze %dma_start3A_186 : memref<1x!tpu.dma_semaphore, #tpu.memory_space<semaphore_mem>> -> memref<!tpu.dma_semaphore, #tpu.memory_space<semaphore_mem>>
      %dma_start3A_188 = arith.constant 0 : i32
      %dma_start3A_189 = tpu.memref_slice %arg4[%add3A_182, %dma_start3A_188] : memref<819200x128xf32, #tpu.memory_space<hbm>> -> memref<128x128xf32, #tpu.memory_space<hbm>>
      tpu.enqueue_dma source(%arg7 : memref<128x128xf32, #tpu.memory_space<vmem>>) target(%dma_start3A_189 : memref<128x128xf32, #tpu.memory_space<hbm>>) target_semaphore(%dma_start3A_187 : memref<!tpu.dma_semaphore, #tpu.memory_space<semaphore_mem>>)
      %add3A_190 = arith.constant 2 : i32
      %add3A_191 = arith.addi %add3A_160, %add3A_190 : i32
      %lt3A_192 = arith.constant 200 : i32
      %lt3A_193 = arith.cmpi slt, %add3A_191, %lt3A_192 : i32
      %convert_element_type3A_194 = arith.extui %lt3A_193 : i1 to i32
      %cond3A_195 = arith.constant 0 : i32
      %cond3A_196 = arith.cmpi ne, %convert_element_type3A_194, %cond3A_195 : i32
      scf.if %cond3A_196 {
        %dma_start3A_273 = arith.constant 4 : i32
        %dma_start3A_274 = arith.constant 4 : i32
        %dma_start3A_275 = arith.constant 0 : i32
        %dma_start3A_276 = arith.constant 0 : i32
        %dma_start3A_277 = tpu.memref_slice %arg6[%dma_start3A_273, %dma_start3A_275, %dma_start3A_276] : memref<5x128x128xf32, #tpu.memory_space<vmem>> -> memref<1x128x128xf32, #tpu.memory_space<vmem>>
        %dma_start3A_278 = tpu.memref_squeeze %dma_start3A_277 : memref<1x128x128xf32, #tpu.memory_space<vmem>> -> memref<128x128xf32, #tpu.memory_space<vmem>>
        %dma_start3A_279 = arith.constant 0 : i32
        %dma_start3A_280 = tpu.memref_slice %arg5[%add3A_191, %dma_start3A_279] : memref<200x128xi32, #tpu.memory_space<vmem>> -> memref<1x128xi32, #tpu.memory_space<vmem>>
        %dma_start3A_281 = tpu.memref_squeeze %dma_start3A_280 : memref<1x128xi32, #tpu.memory_space<vmem>> -> memref<128xi32, #tpu.memory_space<vmem>>
        %dma_start3A_282 = arith.constant 0 : i32
        %dma_start3A_283 = arith.constant 0 : i32
        %dma_start3A_284 = tpu.memref_slice %arg2[%dma_start3A_282, %dma_start3A_283] : memref<100000x128xf32, #tpu.memory_space<hbm>> -> memref<100000x128xf32, #tpu.memory_space<hbm>>
        %dma_start3A_285 = tpu.memref_slice %arg8[%dma_start3A_274] : memref<5x!tpu.dma_semaphore, #tpu.memory_space<semaphore_mem>> -> memref<1x!tpu.dma_semaphore, #tpu.memory_space<semaphore_mem>>
        %dma_start3A_286 = tpu.memref_squeeze %dma_start3A_285 : memref<1x!tpu.dma_semaphore, #tpu.memory_space<semaphore_mem>> -> memref<!tpu.dma_semaphore, #tpu.memory_space<semaphore_mem>>
        tpu.enqueue_indirect_dma source(%dma_start3A_284 : memref<100000x128xf32, #tpu.memory_space<hbm>>) target(%dma_start3A_278 : memref<128x128xf32, #tpu.memory_space<vmem>>) offsets(%dma_start3A_281 : memref<128xi32, #tpu.memory_space<vmem>>) semaphore(%dma_start3A_286 : memref<!tpu.dma_semaphore, #tpu.memory_space<semaphore_mem>>)
      } else {
      }
      %add3A_197 = arith.constant 3 : i32
      %add3A_198 = arith.addi %add3A_86, %add3A_197 : i32
      %dma_wait3A_199 = arith.constant 3 : i32
      %dma_wait3A_200 = arith.constant 3 : i32
      %dma_wait3A_201 = arith.constant 0 : i32
      %dma_wait3A_202 = arith.constant 0 : i32
      %dma_wait3A_203 = tpu.memref_slice %arg6[%dma_wait3A_199, %dma_wait3A_201, %dma_wait3A_202] : memref<5x128x128xf32, #tpu.memory_space<vmem>> -> memref<1x128x128xf32, #tpu.memory_space<vmem>>
      %dma_wait3A_204 = tpu.memref_squeeze %dma_wait3A_203 : memref<1x128x128xf32, #tpu.memory_space<vmem>> -> memref<128x128xf32, #tpu.memory_space<vmem>>
      %dma_wait3A_205 = arith.constant 0 : i32
      %dma_wait3A_206 = tpu.memref_slice %arg5[%add3A_198, %dma_wait3A_205] : memref<200x128xi32, #tpu.memory_space<vmem>> -> memref<1x128xi32, #tpu.memory_space<vmem>>
      %dma_wait3A_207 = tpu.memref_squeeze %dma_wait3A_206 : memref<1x128xi32, #tpu.memory_space<vmem>> -> memref<128xi32, #tpu.memory_space<vmem>>
      %dma_wait3A_208 = arith.constant 0 : i32
      %dma_wait3A_209 = arith.constant 0 : i32
      %dma_wait3A_210 = tpu.memref_slice %arg2[%dma_wait3A_208, %dma_wait3A_209] : memref<100000x128xf32, #tpu.memory_space<hbm>> -> memref<100000x128xf32, #tpu.memory_space<hbm>>
      %dma_wait3A_211 = tpu.memref_slice %arg8[%dma_wait3A_200] : memref<5x!tpu.dma_semaphore, #tpu.memory_space<semaphore_mem>> -> memref<1x!tpu.dma_semaphore, #tpu.memory_space<semaphore_mem>>
      %dma_wait3A_212 = tpu.memref_squeeze %dma_wait3A_211 : memref<1x!tpu.dma_semaphore, #tpu.memory_space<semaphore_mem>> -> memref<!tpu.dma_semaphore, #tpu.memory_space<semaphore_mem>>
      tpu.wait_indirect_dma semaphore(%dma_wait3A_212 : memref<!tpu.dma_semaphore, #tpu.memory_space<semaphore_mem>>) src(%dma_wait3A_210 : memref<100000x128xf32, #tpu.memory_space<hbm>>) dst(%dma_wait3A_204 : memref<128x128xf32, #tpu.memory_space<vmem>>)
      %ge3A_213 = arith.constant 5 : i32
      %ge3A_214 = arith.cmpi sge, %add3A_198, %ge3A_213 : i32
      %convert_element_type3A_215 = arith.extui %ge3A_214 : i1 to i32
      %cond3A_216 = arith.constant 0 : i32
      %cond3A_217 = arith.cmpi ne, %convert_element_type3A_215, %cond3A_216 : i32
      scf.if %cond3A_217 {
        %sub3A = arith.constant 5 : i32
        %sub3A_273 = arith.subi %add3A_198, %sub3A : i32
        %mul3A_274 = arith.constant 128 : i32
        %mul3A_275 = arith.muli %sub3A_273, %mul3A_274 : i32
        %add3A_276 = arith.addi %mul3A_2, %mul3A_275 : i32
        %dma_wait3A_277 = arith.constant 3 : i32
        %dma_wait3A_278 = arith.constant 0 : i32
        %dma_wait3A_279 = tpu.memref_slice %arg4[%add3A_276, %dma_wait3A_278] : memref<819200x128xf32, #tpu.memory_space<hbm>> -> memref<128x128xf32, #tpu.memory_space<hbm>>
        %dma_wait3A_280 = tpu.memref_slice %arg9[%dma_wait3A_277] : memref<5x!tpu.dma_semaphore, #tpu.memory_space<semaphore_mem>> -> memref<1x!tpu.dma_semaphore, #tpu.memory_space<semaphore_mem>>
        %dma_wait3A_281 = tpu.memref_squeeze %dma_wait3A_280 : memref<1x!tpu.dma_semaphore, #tpu.memory_space<semaphore_mem>> -> memref<!tpu.dma_semaphore, #tpu.memory_space<semaphore_mem>>
        %dma_wait3A_282 = arith.constant 0 : i32
        %dma_wait3A_283 = tpu.memref_slice %arg4[%add3A_276, %dma_wait3A_282] : memref<819200x128xf32, #tpu.memory_space<hbm>> -> memref<128x128xf32, #tpu.memory_space<hbm>>
        tpu.wait_dma2 semaphore(%dma_wait3A_281 : memref<!tpu.dma_semaphore, #tpu.memory_space<semaphore_mem>>) src(%arg7 : memref<128x128xf32, #tpu.memory_space<vmem>>) dst(%dma_wait3A_283 : memref<128x128xf32, #tpu.memory_space<hbm>>)
      } else {
      }
      %mul3A_218 = arith.constant 128 : i32
      %mul3A_219 = arith.muli %add3A_198, %mul3A_218 : i32
      %add3A_220 = arith.addi %mul3A_2, %mul3A_219 : i32
      %dma_start3A_221 = arith.constant 3 : i32
      %dma_start3A_222 = arith.constant 0 : i32
      %dma_start3A_223 = tpu.memref_slice %arg4[%add3A_220, %dma_start3A_222] : memref<819200x128xf32, #tpu.memory_space<hbm>> -> memref<128x128xf32, #tpu.memory_space<hbm>>
      %dma_start3A_224 = tpu.memref_slice %arg9[%dma_start3A_221] : memref<5x!tpu.dma_semaphore, #tpu.memory_space<semaphore_mem>> -> memref<1x!tpu.dma_semaphore, #tpu.memory_space<semaphore_mem>>
      %dma_start3A_225 = tpu.memref_squeeze %dma_start3A_224 : memref<1x!tpu.dma_semaphore, #tpu.memory_space<semaphore_mem>> -> memref<!tpu.dma_semaphore, #tpu.memory_space<semaphore_mem>>
      %dma_start3A_226 = arith.constant 0 : i32
      %dma_start3A_227 = tpu.memref_slice %arg4[%add3A_220, %dma_start3A_226] : memref<819200x128xf32, #tpu.memory_space<hbm>> -> memref<128x128xf32, #tpu.memory_space<hbm>>
      tpu.enqueue_dma source(%arg7 : memref<128x128xf32, #tpu.memory_space<vmem>>) target(%dma_start3A_227 : memref<128x128xf32, #tpu.memory_space<hbm>>) target_semaphore(%dma_start3A_225 : memref<!tpu.dma_semaphore, #tpu.memory_space<semaphore_mem>>)
      %add3A_228 = arith.constant 2 : i32
      %add3A_229 = arith.addi %add3A_198, %add3A_228 : i32
      %lt3A_230 = arith.constant 200 : i32
      %lt3A_231 = arith.cmpi slt, %add3A_229, %lt3A_230 : i32
      %convert_element_type3A_232 = arith.extui %lt3A_231 : i1 to i32
      %cond3A_233 = arith.constant 0 : i32
      %cond3A_234 = arith.cmpi ne, %convert_element_type3A_232, %cond3A_233 : i32
      scf.if %cond3A_234 {
        %dma_start3A_273 = arith.constant 0 : i32
        %dma_start3A_274 = arith.constant 0 : i32
        %dma_start3A_275 = arith.constant 0 : i32
        %dma_start3A_276 = arith.constant 0 : i32
        %dma_start3A_277 = tpu.memref_slice %arg6[%dma_start3A_273, %dma_start3A_275, %dma_start3A_276] : memref<5x128x128xf32, #tpu.memory_space<vmem>> -> memref<1x128x128xf32, #tpu.memory_space<vmem>>
        %dma_start3A_278 = tpu.memref_squeeze %dma_start3A_277 : memref<1x128x128xf32, #tpu.memory_space<vmem>> -> memref<128x128xf32, #tpu.memory_space<vmem>>
        %dma_start3A_279 = arith.constant 0 : i32
        %dma_start3A_280 = tpu.memref_slice %arg5[%add3A_229, %dma_start3A_279] : memref<200x128xi32, #tpu.memory_space<vmem>> -> memref<1x128xi32, #tpu.memory_space<vmem>>
        %dma_start3A_281 = tpu.memref_squeeze %dma_start3A_280 : memref<1x128xi32, #tpu.memory_space<vmem>> -> memref<128xi32, #tpu.memory_space<vmem>>
        %dma_start3A_282 = arith.constant 0 : i32
        %dma_start3A_283 = arith.constant 0 : i32
        %dma_start3A_284 = tpu.memref_slice %arg2[%dma_start3A_282, %dma_start3A_283] : memref<100000x128xf32, #tpu.memory_space<hbm>> -> memref<100000x128xf32, #tpu.memory_space<hbm>>
        %dma_start3A_285 = tpu.memref_slice %arg8[%dma_start3A_274] : memref<5x!tpu.dma_semaphore, #tpu.memory_space<semaphore_mem>> -> memref<1x!tpu.dma_semaphore, #tpu.memory_space<semaphore_mem>>
        %dma_start3A_286 = tpu.memref_squeeze %dma_start3A_285 : memref<1x!tpu.dma_semaphore, #tpu.memory_space<semaphore_mem>> -> memref<!tpu.dma_semaphore, #tpu.memory_space<semaphore_mem>>
        tpu.enqueue_indirect_dma source(%dma_start3A_284 : memref<100000x128xf32, #tpu.memory_space<hbm>>) target(%dma_start3A_278 : memref<128x128xf32, #tpu.memory_space<vmem>>) offsets(%dma_start3A_281 : memref<128xi32, #tpu.memory_space<vmem>>) semaphore(%dma_start3A_286 : memref<!tpu.dma_semaphore, #tpu.memory_space<semaphore_mem>>)
      } else {
      }
      %add3A_235 = arith.constant 4 : i32
      %add3A_236 = arith.addi %add3A_86, %add3A_235 : i32
      %dma_wait3A_237 = arith.constant 4 : i32
      %dma_wait3A_238 = arith.constant 4 : i32
      %dma_wait3A_239 = arith.constant 0 : i32
      %dma_wait3A_240 = arith.constant 0 : i32
      %dma_wait3A_241 = tpu.memref_slice %arg6[%dma_wait3A_237, %dma_wait3A_239, %dma_wait3A_240] : memref<5x128x128xf32, #tpu.memory_space<vmem>> -> memref<1x128x128xf32, #tpu.memory_space<vmem>>
      %dma_wait3A_242 = tpu.memref_squeeze %dma_wait3A_241 : memref<1x128x128xf32, #tpu.memory_space<vmem>> -> memref<128x128xf32, #tpu.memory_space<vmem>>
      %dma_wait3A_243 = arith.constant 0 : i32
      %dma_wait3A_244 = tpu.memref_slice %arg5[%add3A_236, %dma_wait3A_243] : memref<200x128xi32, #tpu.memory_space<vmem>> -> memref<1x128xi32, #tpu.memory_space<vmem>>
      %dma_wait3A_245 = tpu.memref_squeeze %dma_wait3A_244 : memref<1x128xi32, #tpu.memory_space<vmem>> -> memref<128xi32, #tpu.memory_space<vmem>>
      %dma_wait3A_246 = arith.constant 0 : i32
      %dma_wait3A_247 = arith.constant 0 : i32
      %dma_wait3A_248 = tpu.memref_slice %arg2[%dma_wait3A_246, %dma_wait3A_247] : memref<100000x128xf32, #tpu.memory_space<hbm>> -> memref<100000x128xf32, #tpu.memory_space<hbm>>
      %dma_wait3A_249 = tpu.memref_slice %arg8[%dma_wait3A_238] : memref<5x!tpu.dma_semaphore, #tpu.memory_space<semaphore_mem>> -> memref<1x!tpu.dma_semaphore, #tpu.memory_space<semaphore_mem>>
      %dma_wait3A_250 = tpu.memref_squeeze %dma_wait3A_249 : memref<1x!tpu.dma_semaphore, #tpu.memory_space<semaphore_mem>> -> memref<!tpu.dma_semaphore, #tpu.memory_space<semaphore_mem>>
      tpu.wait_indirect_dma semaphore(%dma_wait3A_250 : memref<!tpu.dma_semaphore, #tpu.memory_space<semaphore_mem>>) src(%dma_wait3A_248 : memref<100000x128xf32, #tpu.memory_space<hbm>>) dst(%dma_wait3A_242 : memref<128x128xf32, #tpu.memory_space<vmem>>)
      %ge3A_251 = arith.constant 5 : i32
      %ge3A_252 = arith.cmpi sge, %add3A_236, %ge3A_251 : i32
      %convert_element_type3A_253 = arith.extui %ge3A_252 : i1 to i32
      %cond3A_254 = arith.constant 0 : i32
      %cond3A_255 = arith.cmpi ne, %convert_element_type3A_253, %cond3A_254 : i32
      scf.if %cond3A_255 {
        %sub3A = arith.constant 5 : i32
        %sub3A_273 = arith.subi %add3A_236, %sub3A : i32
        %mul3A_274 = arith.constant 128 : i32
        %mul3A_275 = arith.muli %sub3A_273, %mul3A_274 : i32
        %add3A_276 = arith.addi %mul3A_2, %mul3A_275 : i32
        %dma_wait3A_277 = arith.constant 4 : i32
        %dma_wait3A_278 = arith.constant 0 : i32
        %dma_wait3A_279 = tpu.memref_slice %arg4[%add3A_276, %dma_wait3A_278] : memref<819200x128xf32, #tpu.memory_space<hbm>> -> memref<128x128xf32, #tpu.memory_space<hbm>>
        %dma_wait3A_280 = tpu.memref_slice %arg9[%dma_wait3A_277] : memref<5x!tpu.dma_semaphore, #tpu.memory_space<semaphore_mem>> -> memref<1x!tpu.dma_semaphore, #tpu.memory_space<semaphore_mem>>
        %dma_wait3A_281 = tpu.memref_squeeze %dma_wait3A_280 : memref<1x!tpu.dma_semaphore, #tpu.memory_space<semaphore_mem>> -> memref<!tpu.dma_semaphore, #tpu.memory_space<semaphore_mem>>
        %dma_wait3A_282 = arith.constant 0 : i32
        %dma_wait3A_283 = tpu.memref_slice %arg4[%add3A_276, %dma_wait3A_282] : memref<819200x128xf32, #tpu.memory_space<hbm>> -> memref<128x128xf32, #tpu.memory_space<hbm>>
        tpu.wait_dma2 semaphore(%dma_wait3A_281 : memref<!tpu.dma_semaphore, #tpu.memory_space<semaphore_mem>>) src(%arg7 : memref<128x128xf32, #tpu.memory_space<vmem>>) dst(%dma_wait3A_283 : memref<128x128xf32, #tpu.memory_space<hbm>>)
      } else {
      }
      %mul3A_256 = arith.constant 128 : i32
      %mul3A_257 = arith.muli %add3A_236, %mul3A_256 : i32
      %add3A_258 = arith.addi %mul3A_2, %mul3A_257 : i32
      %dma_start3A_259 = arith.constant 4 : i32
      %dma_start3A_260 = arith.constant 0 : i32
      %dma_start3A_261 = tpu.memref_slice %arg4[%add3A_258, %dma_start3A_260] : memref<819200x128xf32, #tpu.memory_space<hbm>> -> memref<128x128xf32, #tpu.memory_space<hbm>>
      %dma_start3A_262 = tpu.memref_slice %arg9[%dma_start3A_259] : memref<5x!tpu.dma_semaphore, #tpu.memory_space<semaphore_mem>> -> memref<1x!tpu.dma_semaphore, #tpu.memory_space<semaphore_mem>>
      %dma_start3A_263 = tpu.memref_squeeze %dma_start3A_262 : memref<1x!tpu.dma_semaphore, #tpu.memory_space<semaphore_mem>> -> memref<!tpu.dma_semaphore, #tpu.memory_space<semaphore_mem>>
      %dma_start3A_264 = arith.constant 0 : i32
      %dma_start3A_265 = tpu.memref_slice %arg4[%add3A_258, %dma_start3A_264] : memref<819200x128xf32, #tpu.memory_space<hbm>> -> memref<128x128xf32, #tpu.memory_space<hbm>>
      tpu.enqueue_dma source(%arg7 : memref<128x128xf32, #tpu.memory_space<vmem>>) target(%dma_start3A_265 : memref<128x128xf32, #tpu.memory_space<hbm>>) target_semaphore(%dma_start3A_263 : memref<!tpu.dma_semaphore, #tpu.memory_space<semaphore_mem>>)
      %add3A_266 = arith.constant 2 : i32
      %add3A_267 = arith.addi %add3A_236, %add3A_266 : i32
      %lt3A_268 = arith.constant 200 : i32
      %lt3A_269 = arith.cmpi slt, %add3A_267, %lt3A_268 : i32
      %convert_element_type3A_270 = arith.extui %lt3A_269 : i1 to i32
      %cond3A_271 = arith.constant 0 : i32
      %cond3A_272 = arith.cmpi ne, %convert_element_type3A_270, %cond3A_271 : i32
      scf.if %cond3A_272 {
        %dma_start3A_273 = arith.constant 1 : i32
        %dma_start3A_274 = arith.constant 1 : i32
        %dma_start3A_275 = arith.constant 0 : i32
        %dma_start3A_276 = arith.constant 0 : i32
        %dma_start3A_277 = tpu.memref_slice %arg6[%dma_start3A_273, %dma_start3A_275, %dma_start3A_276] : memref<5x128x128xf32, #tpu.memory_space<vmem>> -> memref<1x128x128xf32, #tpu.memory_space<vmem>>
        %dma_start3A_278 = tpu.memref_squeeze %dma_start3A_277 : memref<1x128x128xf32, #tpu.memory_space<vmem>> -> memref<128x128xf32, #tpu.memory_space<vmem>>
        %dma_start3A_279 = arith.constant 0 : i32
        %dma_start3A_280 = tpu.memref_slice %arg5[%add3A_267, %dma_start3A_279] : memref<200x128xi32, #tpu.memory_space<vmem>> -> memref<1x128xi32, #tpu.memory_space<vmem>>
        %dma_start3A_281 = tpu.memref_squeeze %dma_start3A_280 : memref<1x128xi32, #tpu.memory_space<vmem>> -> memref<128xi32, #tpu.memory_space<vmem>>
        %dma_start3A_282 = arith.constant 0 : i32
        %dma_start3A_283 = arith.constant 0 : i32
        %dma_start3A_284 = tpu.memref_slice %arg2[%dma_start3A_282, %dma_start3A_283] : memref<100000x128xf32, #tpu.memory_space<hbm>> -> memref<100000x128xf32, #tpu.memory_space<hbm>>
        %dma_start3A_285 = tpu.memref_slice %arg8[%dma_start3A_274] : memref<5x!tpu.dma_semaphore, #tpu.memory_space<semaphore_mem>> -> memref<1x!tpu.dma_semaphore, #tpu.memory_space<semaphore_mem>>
        %dma_start3A_286 = tpu.memref_squeeze %dma_start3A_285 : memref<1x!tpu.dma_semaphore, #tpu.memory_space<semaphore_mem>> -> memref<!tpu.dma_semaphore, #tpu.memory_space<semaphore_mem>>
        tpu.enqueue_indirect_dma source(%dma_start3A_284 : memref<100000x128xf32, #tpu.memory_space<hbm>>) target(%dma_start3A_278 : memref<128x128xf32, #tpu.memory_space<vmem>>) offsets(%dma_start3A_281 : memref<128xi32, #tpu.memory_space<vmem>>) semaphore(%dma_start3A_286 : memref<!tpu.dma_semaphore, #tpu.memory_space<semaphore_mem>>)
      } else {
      }
    }
    %scan3A_37 = arith.constant 40 : i32
    %add3A_38 = arith.constant 24960 : i32
    %add3A_39 = arith.addi %mul3A_2, %add3A_38 : i32
    %dma_wait3A = arith.constant 0 : i32
    %dma_wait3A_40 = arith.constant 0 : i32
    %dma_wait3A_41 = tpu.memref_slice %arg4[%add3A_39, %dma_wait3A_40] : memref<819200x128xf32, #tpu.memory_space<hbm>> -> memref<128x128xf32, #tpu.memory_space<hbm>>
    %dma_wait3A_42 = tpu.memref_slice %arg9[%dma_wait3A] : memref<5x!tpu.dma_semaphore, #tpu.memory_space<semaphore_mem>> -> memref<1x!tpu.dma_semaphore, #tpu.memory_space<semaphore_mem>>
    %dma_wait3A_43 = tpu.memref_squeeze %dma_wait3A_42 : memref<1x!tpu.dma_semaphore, #tpu.memory_space<semaphore_mem>> -> memref<!tpu.dma_semaphore, #tpu.memory_space<semaphore_mem>>
    %dma_wait3A_44 = arith.constant 0 : i32
    %dma_wait3A_45 = tpu.memref_slice %arg4[%add3A_39, %dma_wait3A_44] : memref<819200x128xf32, #tpu.memory_space<hbm>> -> memref<128x128xf32, #tpu.memory_space<hbm>>
    tpu.wait_dma2 semaphore(%dma_wait3A_43 : memref<!tpu.dma_semaphore, #tpu.memory_space<semaphore_mem>>) src(%arg7 : memref<128x128xf32, #tpu.memory_space<vmem>>) dst(%dma_wait3A_45 : memref<128x128xf32, #tpu.memory_space<hbm>>)
    %add3A_46 = arith.constant 25088 : i32
    %add3A_47 = arith.addi %mul3A_2, %add3A_46 : i32
    %dma_wait3A_48 = arith.constant 1 : i32
    %dma_wait3A_49 = arith.constant 0 : i32
    %dma_wait3A_50 = tpu.memref_slice %arg4[%add3A_47, %dma_wait3A_49] : memref<819200x128xf32, #tpu.memory_space<hbm>> -> memref<128x128xf32, #tpu.memory_space<hbm>>
    %dma_wait3A_51 = tpu.memref_slice %arg9[%dma_wait3A_48] : memref<5x!tpu.dma_semaphore, #tpu.memory_space<semaphore_mem>> -> memref<1x!tpu.dma_semaphore, #tpu.memory_space<semaphore_mem>>
    %dma_wait3A_52 = tpu.memref_squeeze %dma_wait3A_51 : memref<1x!tpu.dma_semaphore, #tpu.memory_space<semaphore_mem>> -> memref<!tpu.dma_semaphore, #tpu.memory_space<semaphore_mem>>
    %dma_wait3A_53 = arith.constant 0 : i32
    %dma_wait3A_54 = tpu.memref_slice %arg4[%add3A_47, %dma_wait3A_53] : memref<819200x128xf32, #tpu.memory_space<hbm>> -> memref<128x128xf32, #tpu.memory_space<hbm>>
    tpu.wait_dma2 semaphore(%dma_wait3A_52 : memref<!tpu.dma_semaphore, #tpu.memory_space<semaphore_mem>>) src(%arg7 : memref<128x128xf32, #tpu.memory_space<vmem>>) dst(%dma_wait3A_54 : memref<128x128xf32, #tpu.memory_space<hbm>>)
    %add3A_55 = arith.constant 25216 : i32
    %add3A_56 = arith.addi %mul3A_2, %add3A_55 : i32
    %dma_wait3A_57 = arith.constant 2 : i32
    %dma_wait3A_58 = arith.constant 0 : i32
    %dma_wait3A_59 = tpu.memref_slice %arg4[%add3A_56, %dma_wait3A_58] : memref<819200x128xf32, #tpu.memory_space<hbm>> -> memref<128x128xf32, #tpu.memory_space<hbm>>
    %dma_wait3A_60 = tpu.memref_slice %arg9[%dma_wait3A_57] : memref<5x!tpu.dma_semaphore, #tpu.memory_space<semaphore_mem>> -> memref<1x!tpu.dma_semaphore, #tpu.memory_space<semaphore_mem>>
    %dma_wait3A_61 = tpu.memref_squeeze %dma_wait3A_60 : memref<1x!tpu.dma_semaphore, #tpu.memory_space<semaphore_mem>> -> memref<!tpu.dma_semaphore, #tpu.memory_space<semaphore_mem>>
    %dma_wait3A_62 = arith.constant 0 : i32
    %dma_wait3A_63 = tpu.memref_slice %arg4[%add3A_56, %dma_wait3A_62] : memref<819200x128xf32, #tpu.memory_space<hbm>> -> memref<128x128xf32, #tpu.memory_space<hbm>>
    tpu.wait_dma2 semaphore(%dma_wait3A_61 : memref<!tpu.dma_semaphore, #tpu.memory_space<semaphore_mem>>) src(%arg7 : memref<128x128xf32, #tpu.memory_space<vmem>>) dst(%dma_wait3A_63 : memref<128x128xf32, #tpu.memory_space<hbm>>)
    %add3A_64 = arith.constant 25344 : i32
    %add3A_65 = arith.addi %mul3A_2, %add3A_64 : i32
    %dma_wait3A_66 = arith.constant 3 : i32
    %dma_wait3A_67 = arith.constant 0 : i32
    %dma_wait3A_68 = tpu.memref_slice %arg4[%add3A_65, %dma_wait3A_67] : memref<819200x128xf32, #tpu.memory_space<hbm>> -> memref<128x128xf32, #tpu.memory_space<hbm>>
    %dma_wait3A_69 = tpu.memref_slice %arg9[%dma_wait3A_66] : memref<5x!tpu.dma_semaphore, #tpu.memory_space<semaphore_mem>> -> memref<1x!tpu.dma_semaphore, #tpu.memory_space<semaphore_mem>>
    %dma_wait3A_70 = tpu.memref_squeeze %dma_wait3A_69 : memref<1x!tpu.dma_semaphore, #tpu.memory_space<semaphore_mem>> -> memref<!tpu.dma_semaphore, #tpu.memory_space<semaphore_mem>>
    %dma_wait3A_71 = arith.constant 0 : i32
    %dma_wait3A_72 = tpu.memref_slice %arg4[%add3A_65, %dma_wait3A_71] : memref<819200x128xf32, #tpu.memory_space<hbm>> -> memref<128x128xf32, #tpu.memory_space<hbm>>
    tpu.wait_dma2 semaphore(%dma_wait3A_70 : memref<!tpu.dma_semaphore, #tpu.memory_space<semaphore_mem>>) src(%arg7 : memref<128x128xf32, #tpu.memory_space<vmem>>) dst(%dma_wait3A_72 : memref<128x128xf32, #tpu.memory_space<hbm>>)
    %add3A_73 = arith.constant 25472 : i32
    %add3A_74 = arith.addi %mul3A_2, %add3A_73 : i32
    %dma_wait3A_75 = arith.constant 4 : i32
    %dma_wait3A_76 = arith.constant 0 : i32
    %dma_wait3A_77 = tpu.memref_slice %arg4[%add3A_74, %dma_wait3A_76] : memref<819200x128xf32, #tpu.memory_space<hbm>> -> memref<128x128xf32, #tpu.memory_space<hbm>>
    %dma_wait3A_78 = tpu.memref_slice %arg9[%dma_wait3A_75] : memref<5x!tpu.dma_semaphore, #tpu.memory_space<semaphore_mem>> -> memref<1x!tpu.dma_semaphore, #tpu.memory_space<semaphore_mem>>
    %dma_wait3A_79 = tpu.memref_squeeze %dma_wait3A_78 : memref<1x!tpu.dma_semaphore, #tpu.memory_space<semaphore_mem>> -> memref<!tpu.dma_semaphore, #tpu.memory_space<semaphore_mem>>
    %dma_wait3A_80 = arith.constant 0 : i32
    %dma_wait3A_81 = tpu.memref_slice %arg4[%add3A_74, %dma_wait3A_80] : memref<819200x128xf32, #tpu.memory_space<hbm>> -> memref<128x128xf32, #tpu.memory_space<hbm>>
    tpu.wait_dma2 semaphore(%dma_wait3A_79 : memref<!tpu.dma_semaphore, #tpu.memory_space<semaphore_mem>>) src(%arg7 : memref<128x128xf32, #tpu.memory_space<vmem>>) dst(%dma_wait3A_81 : memref<128x128xf32, #tpu.memory_space<hbm>>)
    return
  }
}

</mosaic_0001>

<sc_bundles>
// kernel: kernel.3.cloned.1.call-start
scs
__scs_entry_jumppad:
0x0: {  	(pc) =	sbr.rel $0x88, $3  }
0x1: {  	(tag) =	ssettag $0x0;
	lr =	simm.s32 $0x1  }
0x2: {  	[smem:$0x3F9F] =	sst lr;
	_ =	strace $0xD0000000  }
0x3: {  	_ = 	snop  }
0x4: {  	_ = 	snop  }
0x5: {  	_ = 	snop  }
0x6: {  	_ = 	snop  }
0x7: {  	_ = 	snop  }
__scs_overlays_trampoline_lowered:
0x8: {  	[smem:$0x3FAE] =	sst s0  }
0x9: {  	[smem:$0x3FAF] =	sst s1  }
0xa: {  	[smem:$0x3FB0] =	sst s2  }
0xb: {  	[smem:$0x3FB1] =	sst s3  }
0xc: {  	[smem:$0x3FB2] =	sst s4  }
0xd: {  	[smem:$0x3FB3] =	sst s5  }
0xe: {  	[smem:$0x3FB4] =	sst s6  }
0xf: {  	[smem:$0x3FB5] =	sst s7  }
0x10: {  	[smem:$0x3FB6] =	sst s8  }
0x11: {  	[smem:$0x3FB7] =	sst s9;
	s0 =	simm.s32 @!p0 $0x0  }
0x12: {  	s1 =	sld [smem:$0x3F9D];
	s0 =	simm.s32 @p0 $0x1  }
0x13: {  	[smem:$0x3FB8] =	sst s0;
	s0 =	simm.s32 @!p1 $0x0  }
0x14: {  	s2 =	sld [smem:$0x3F9C];
	s0 =	simm.s32 @p1 $0x1  }
0x15: {  	[smem:$0x3FB9] =	sst s0;
	s0 =	simm.s32 @!p2 $0x0  }
0x16: {  	s3 =	sld [smem:$0x3FDB];
	s0 =	simm.s32 @p2 $0x1  }
0x17: {  	s4 =	simm.s32 $0x1BF5;
	[smem:$0x3FBB] =	sst s0  }
0x18: {  	s0 =	sld [smem:$0x3F9E];
	_ =	swait.ge [sflag:s4], $0x0  }
0x19: {  	s7 =	sld [smem:$0x3F9F]  }
0x1a: {  	s8 =	sadd.s32 $0xFFFFE003, lr  }
0x1b: {  	s9 =	sadd.s32 $0xFFFFFEF7, lr;
	s5 =	simm.s32 $0xFFFFFFFF;
	p2 =	slt.u32 s8, $0xFFFFF086  }
0x1c: {  	p1 =	slt.u32 s9, $0xF7A;
	s5 =	simm.s32 @!p2 $0x0  }
0x1d: {  	s5 =	simm.s32 @p1 $0x1;
	p0 =	seq.s32 s7, s2  }
0x1e: {  	s7 =	smul.u32 @!p0 $0xF7A, s2;
	p2 =	seq.s32 @!p0 s5, $0x0  }
0x1f: {  	s9 =	smul.u32 $0xF7A, s1;
	s8 =	simm.s32 @!p0 $0x1BF5;
	p2 =	por !p2, p0  }
0x20: {  	[sflag:s8] =	ssyncset.s32 @!p0 $0xFFFFF086;
	s6 =	sadd.s32 @!p0 s3, s7;
	s7 =	simm.s32 @!p0 $0x108  }
0x21: {  	s3 =	sadd.s32 s3, s9;
	s6 =	sadd.s32 @!p0 $0x88, s6;
	s7 =	simm.s32 @p2 $0x1082  }
0x22: {  	[simem:s7], [sflag:s8] =	dma.local @!p0 [hbm:s6], $0xF7A  }
0x23: {  	s9 =	sor.u32 $0xD0000000, s2;
	s6 =	simm.s32 $0x108;
	_ =	swait.ge @!p0 [sflag:s8], $0x0  }
0x24: {  	s3 =	sadd.s32 $0x88, s3;
	s6 =	simm.s32 @!p1 $0x1082;
	[sflag:s4] =	ssyncset.s32 $0xFFFFF086  }
0x25: {  	[simem:s6], [sflag:s4] =	dma.local [hbm:s3], $0xF7A  }
0x26: {  	[smem:$0x3F9F] =	sst s1;
	(tag) =	ssettag s2;
	_ =	strace s9  }
0x27: {  	s1 =	sld [smem:$0x3FAF]  }
0x28: {  	s2 =	sld [smem:$0x3FB0]  }
0x29: {  	s4 =	sld [smem:$0x3FB2]  }
0x2a: {  	p0 =	seq.s32 s5, $0x0;
	s5 =	sld [smem:$0x3FB3]  }
0x2b: {  	s6 =	sld [smem:$0x3FB4]  }
0x2c: {  	s7 =	sld [smem:$0x3FB5]  }
0x2d: {  	s3 =	simm.s32 $0x108;
	s8 =	sld [smem:$0x3FB6]  }
0x2e: {  	s3 =	simm.s32 @!p0 $0x1082;
	s9 =	sld [smem:$0x3FB7]  }
0x2f: {  	lr =	sadd.s32 s0, s3;
	s0 =	sld [smem:$0x3FAE]  }
0x30: {  	s3 =	sld [smem:$0x3FB1]  }
0x31: {  	[smem:$0x3FBA] =	sst s10  }
0x32: {  	s10 =	sld [smem:$0x3FB8];
	_ =	sdelay $0x3  }
0x33: {  	p0 =	seq.s32 s10, $0x1;
	s10 =	sld [smem:$0x3FBA];
	_ =	sdelay $0x3  }
0x34: {  	[smem:$0x3FBA] =	sst s10  }
0x35: {  	s10 =	sld [smem:$0x3FB9];
	_ =	sdelay $0x3  }
0x36: {  	p1 =	seq.s32 s10, $0x1;
	s10 =	sld [smem:$0x3FBA];
	_ =	sdelay $0x3  }
0x37: {  	[smem:$0x3FBA] =	sst s10  }
0x38: {  	s10 =	sld [smem:$0x3FBB]  }
0x39: {  	_ = 	snop;
	(pc) =	sbr.ind lr, $3  }
0x3a: {  	_ = 	snop  }
0x3b: {  	_ = 	snop  }
0x3c: {  	p2 =	seq.s32 s10, $0x1;
	s10 =	sld [smem:$0x3FBA]  }
0x3d: {  	_ =	shalt  }
0x3e: {  	_ =	shalt  }
0x3f: {  	_ =	shalt  }
0x40: {  	_ =	shalt  }
0x41: {  	_ =	shalt  }
0x42: {  	_ =	shalt  }
0x43: {  	_ =	shalt  }
0x44: {  	_ =	shalt  }
0x45: {  	_ =	shalt  }
0x46: {  	_ =	shalt  }
0x47: {  	_ =	shalt  }
0x48: {  	_ =	shalt  }
0x49: {  	_ =	shalt  }
0x4a: {  	_ =	shalt  }
0x4b: {  	_ =	shalt  }
0x4c: {  	_ =	shalt  }
0x4d: {  	_ =	shalt  }
0x4e: {  	_ =	shalt  }
0x4f: {  	_ =	shalt  }
0x50: {  	_ =	shalt  }
0x51: {  	_ =	shalt  }
0x52: {  	_ =	shalt  }
0x53: {  	_ =	shalt  }
0x54: {  	_ =	shalt  }
0x55: {  	_ =	shalt  }
0x56: {  	_ =	shalt  }
0x57: {  	_ =	shalt  }
0x58: {  	_ =	shalt  }
0x59: {  	_ =	shalt  }
0x5a: {  	_ =	shalt  }
0x5b: {  	_ =	shalt  }
0x5c: {  	_ =	shalt  }
0x5d: {  	_ =	shalt  }
0x5e: {  	_ =	shalt  }
0x5f: {  	_ =	shalt  }
0x60: {  	_ =	shalt  }
0x61: {  	_ =	shalt  }
0x62: {  	_ =	shalt  }
0x63: {  	_ =	shalt  }
0x64: {  	_ =	shalt  }
0x65: {  	_ =	shalt  }
0x66: {  	_ =	shalt  }
0x67: {  	_ =	shalt  }
0x68: {  	_ =	shalt  }
0x69: {  	_ =	shalt  }
0x6a: {  	_ =	shalt  }
0x6b: {  	_ =	shalt  }
0x6c: {  	_ =	shalt  }
0x6d: {  	_ =	shalt  }
0x6e: {  	_ =	shalt  }
0x6f: {  	_ =	shalt  }
0x70: {  	_ =	shalt  }
0x71: {  	_ =	shalt  }
0x72: {  	_ =	shalt  }
0x73: {  	_ =	shalt  }
0x74: {  	_ =	shalt  }
0x75: {  	_ =	shalt  }
0x76: {  	_ =	shalt  }
0x77: {  	_ =	shalt  }
0x78: {  	_ =	shalt  }
0x79: {  	_ =	shalt  }
0x7a: {  	_ =	shalt  }
0x7b: {  	_ =	shalt  }
0x7c: {  	_ =	shalt  }
0x7d: {  	_ =	shalt  }
0x7e: {  	_ =	shalt  }
0x7f: {  	_ =	shalt  }
0x80: {  	_ =	shalt  }
0x81: {  	_ =	shalt  }
0x82: {  	_ =	shalt  }
0x83: {  	_ =	shalt  }
0x84: {  	_ =	shalt  }
0x85: {  	_ =	shalt  }
0x86: {  	_ =	shalt  }
0x87: {  	_ =	shalt  }
.Lfunc_end0:
.L_simem_size_0:
called_computation_lowered:
.L_overlay_start_0:
0x88: {  	s2 =	sld [smem:$0x3FD9]  }
0x89: {  	s3 =	sld [smem:$0x3FFE];
	_ =	sdelay $0x1  }
0x8a: {  	s1 =	srdreg.scid  }
0x8b: {  	s0 =	sand.u32 $0x1, s1  }
0x8c: {  	s17 =	sshll.u32 s0, $0xA;
	s2 =	sadd.s32 s3, s2  }
0x8d: {  	s2 =	sadd.s32 s2, s17  }
0x8e: {  	[smem:$0x3FC6] =	sst s2  }
0x8f: {  	_ = 	snop  }
0x90: {  	s2 =	sld [smem:$0x3FC8]  }
0x91: {  	s18 =	sld [smem:$0x3FD0];
	(tm) =	ssettm $0x1  }
0x92: {  	s4 =	sld [smem:$0x3FFB];
	_ =	sdelay $0x3  }
0x93: {  	_ =	strace s4  }
0x94: {  	s4 =	sld [smem:$0x3FFC];
	_ =	sdelay $0x3  }
0x95: {  	_ =	strace s4  }
0x96: {  	s4 =	sld [smem:$0x3FFD];
	_ =	sdelay $0x3  }
0x97: {  	_ =	strace s4  }
0x98: {  	_ =	strace $0x8FFFFFFF  }
0x99: {  	s19 =	sld [smem:$0x3FDB];
	_ =	sdelay $0x1  }
0x9a: {  	s5 =	simm.s32 $_scs_section_size  }
0x9b: {  	s6 =	simm.s32 $_size__tile_overlayer_lowered;
	s7 =	simm.s32 $_tile_overlayer_lowered  }
0x9c: {  	s22 =	simm.s32 $0x1BFF;
	s21 =	sshll.u32 s7, $0x1;
	s4 =	sadd.s32 s5, s19  }
0x9d: {  	s8 =	simm.s32 $0x0;
	s20 =	sshll.u32 s6, $0x1;
	s6 =	sadd.s32 s21, s4  }
0x9e: {  	[timem:s8], [sflag:s22] =	dma.local [hbm:s6], s20  }
0x9f: {  	_ =	swait.ge [sflag:s22], s20  }
0xa0: {  	s5 =	ssub.s32 $0x0, s20;
	[sflag:s22] =	ssyncset.done $0x0  }
0xa1: {  	[sflag:s22] =	ssyncadd.s32 s5;
	_ =	sdelay $0x1  }
0xa2: {  	s23 =	simm.s32 $0x1B8B  }
0xa3: {  	_ =	swait.ge [sflag:s23], $0x1  }
0xa4: {  	[sflag:s23] =	ssyncset.done $0x0  }
0xa5: {  	s25 =	simm.s32 $0x1B8E;
	s24 =	sld [smem:$0x3FFE];
	[sflag:s23] =	ssyncadd.s32 $0xFFFFFFFF  }
0xa6: {  	s26 =	simm.s32 $execute0_lowered;
	[smem:$0x3FD2] =	sst s25  }
0xa7: {  	s6 =	sshll.u32 s26, $0x1;
	_ =	strace $0x80000046;
	[dreg:$0x1] =	wrdreg $0xFFFFFFFF  }
0xa8: {  	s28 =	simm.s32 $_size_execute0_lowered;
	s4 =	sadd.s32 s4, s6;
	[dreg:$0x0] =	wrdreg $0x0  }
0xa9: {  	s6 =	sshll.u32 s28, $0x1;
	[dreg:$0x2] =	wrdreg s4  }
0xaa: {  	[dreg:$0x3] =	wrdreg s6  }
0xab: {  	[dreg:$0x4] =	wrdreg $0xC0  }
0xac: {  	_ =	task [dreg:s8], $0x5FFFF  }
0xad: {  	[dreg:$0x1] =	wrdreg $0xFFFFFFFF  }
0xae: {  	[dreg:$0x0] =	wrdreg $0x60  }
0xaf: {  	[dreg:$0x2] =	wrdreg s2  }
0xb0: {  	[dreg:$0x3] =	wrdreg s24  }
0xb1: {  	[dreg:$0x4] =	wrdreg s18  }
0xb2: {  	[dreg:$0x5] =	wrdreg $0x9  }
0xb3: {  	_ =	task.clear_ibuf [dreg:s8], $0x6FFFF;
	_ =	strace $0x90000046  }
0xb4: {  	s29 =	simm.s32 $0x9;
	_ =	strace $0x80000048  }
0xb5: {  	_ =	swait.ge [sflag:s29], $0x1  }
0xb6: {  	[sflag:s29] =	ssyncadd.s32 $0xFFFFFFFF  }
0xb7: {  	_ =	strace $0x90000048  }
0xb8: {  	_ =	sfence  }
0xb9: {  	s30 =	sld [smem:$0x0];
	_ =	sdelay $0x2  }
0xba: {  	s31 =	sshll.u32 s1, $0xD;
	s1 =	sshrl.u32 s1, $0x2  }
0xbb: {  	s3 =	sand.u32 $0x4000, s31;
	s1 =	sadd.s32 s1, s30  }
0xbc: {  	s0 =	sor.u32 s3, s0;
	s1 =	sshll.u32 s1, $0x11  }
0xbd: {  	s0 =	sor.u32 s1, s0  }
0xbe: {  	s0 =	sadd.s32 $0x8F2B, s0  }
0xbf: {  	[sflag:s0] =	ssyncadd.remote.s32 $0x1  }
0xc0: {  	_ =	sfence.sel $0xFFFF  }
0xc1: {  	[dreg:$0x0] =	wrdreg $0xFFFFFFFF;
	(pc) =	sbr.abs _section_cstart, $3  }
0xc2: {  	[dreg:$0x1] =	wrdreg $0xFFFFFFFF  }
0xc3: {  	_ =	task.clear_ibuf [dreg:s8], $0x2FFFF;
	_ =	strace $0x9FFFFFFF  }
0xc4: {  	(tm) =	ssettm $0x7FFFFFFF  }
0xc5: {  	_ =	shalt  }
tec
execute0_lowered:
.L_overlay_start_1:
0x0: {  	(tag) =	ssettag $0x1  }
0x1: {  	s1 =	rddreg [dreg:$0x0]  }
0x2: {  	s0 =	srdreg.scid;
	s4 =	rddreg [dreg:$0x1]  }
0x3: {  	s9 =	stileid.u32;
	s5 =	rddreg [dreg:$0x2]  }
0x4: {  	s3 =	simm.s32 $0x0;
	s11 =	simm.s32 $0xB;
	s12 =	simm.s32 $0x80  }
0x5: {  	s13 =	simm.s32 $0x6400;
	s14 =	simm.s32 $0xA400;
	s15 =	simm.s32 $0x1  }
0x6: {  	s16 =	simm.s32 $0x1A400;
	s17 =	simm.s32 $0xE400;
	s18 =	simm.s32 $0x2  }
0x7: {  	s19 =	simm.s32 $0x12400;
	s28 =	simm.s32 $0x8;
	s6 =	smul.u32 $0x640000, s9  }
0x8: {  	s29 =	simm.s32 $0x9;
	s0 =	sand.u32 $0x1, s0;
	s21 =	smul.u32 $0xC8000, s9  }
0x9: {  	s2 =	sshll.u32 s9, $0x1;
	[smem:$0x7FF] =	sst s3;
	s8 =	smul.u32 $0x320000, s0  }
0xa: {  	s2 =	sor.u32 s0, s2;
	s7 =	ssub.s32 $0x2, s0;
	s0 =	smul.u32 $0x64000, s0  }
0xb: {  	s30 =	simm.s32 $0x0;
	_ =	strace $0x80000047;
	s2 =	smul.u32 $0xC80, s2  }
0xc: {  	s20 =	sshrl.u32 s7, $0x1;
	s23 =	sadd.s32 s21, s5;
	s21 =	simm.s32 $0x16400  }
0xd: {  	s6 =	sadd.s32 s8, s6;
	s0 =	sadd.s32 s0, s23;
	s23 =	simm.s32 $0x5  }
0xe: {  	s2 =	sadd.s32 s2, s4;
	s4 =	ssub.s32 s7, s20;
	s22 =	sor.u32 $0x10000, s6  }
0xf: {  	[dreg:$0x6] =	wrdreg s0;
	s25 =	sor.u32 $0xC000, s6;
	s26 =	sor.u32 $0x8000, s6  }
0x10: {  	s31 =	sor.u32 $0x4000, s6;
	s20 =	simm.s32 $0x3;
	s2 =	sadd.s32 $0x400, s2  }
0x11: {  	s4 =	smax.u32 s4, $0x1;
	s0 =	sshrl.u32 s25, $0x3;
	[dreg:$0x4] =	wrdreg s2  }
.Ltmp0:
0x12: {  	s25 =	simm.s32 $0x6;
	[dreg:$0x5] =	wrdreg s4;
	(pc) =	sbr.rel .LBB2_1-.Ltmp0, $4  }
0x13: {  	s2 =	sshrl.u32 s22, $0x3;
	s0 =	sadd.s32 s0, s5;
	s4 =	sshrl.u32 s31, $0x3  }
0x14: {  	s22 =	simm.s32 $0x4;
	s24 =	sadd.s32 s2, s5;
	[dreg:$0x8] =	wrdreg s0  }
0x15: {  	s2 =	sshrl.u32 s26, $0x3;
	s10 =	sadd.s32 s4, s5;
	s26 =	simm.s32 $0x7  }
0x16: {  	[dreg:$0x7] =	wrdreg s24;
	s2 =	sadd.s32 s2, s5;
	s24 =	simm.s32 $0xA  }
.LBB2_8:
0x17: {  	_ =	swait.ge [sflag:s25], $0x4000  }
0x18: {  	[sflag:s25] =	ssyncset.done $0x0  }
0x19: {  	[sflag:s25] =	ssyncadd.s32 $0xFFFFC000  }
0x1a: {  	_ =	swait.ge [sflag:s26], $0x4000  }
0x1b: {  	[sflag:s26] =	ssyncset.done $0x0  }
0x1c: {  	[sflag:s26] =	ssyncadd.s32 $0xFFFFC000  }
0x1d: {  	_ =	swait.ge [sflag:s28], $0x4000  }
0x1e: {  	[sflag:s28] =	ssyncset.done $0x0  }
0x1f: {  	[sflag:s28] =	ssyncadd.s32 $0xFFFFC000  }
0x20: {  	_ =	swait.ge [sflag:s29], $0x4000  }
0x21: {  	[sflag:s29] =	ssyncset.done $0x0  }
0x22: {  	[sflag:s29] =	ssyncadd.s32 $0xFFFFC000  }
0x23: {  	_ =	swait.ge [sflag:s24], $0x4000  }
0x24: {  	s30 =	sadd.s32 $0x1, s30;
	s0 =	rddreg [dreg:$0x5]  }
0x25: {  	p0 =	sne.s32 s30, s0  }
.Ltmp1:
0x26: {  	_ = 	snop;
	(pc) =	sbr.rel @!p0 .LBB2_9-.Ltmp1, $3  }
0x27: {  	_ =	sdelay $0x1  }
0x28: {  	[sflag:s24] =	ssyncset.done $0x0  }
0x29: {  	[sflag:s24] =	ssyncadd.s32 $0xFFFFC000  }
.LBB2_1:
0x2a: {  	s0 =	rddreg [dreg:$0x4]  }
0x2b: {  	[tilespmem:s3], [sflag:$0xB] =	stream.linear.gather [hbm4b:s0+s3], $0x6400, $0x38;
	[tilespmem:$0x1E400] =	vst v63  }
0x2c: {  	_ =	swait.ge [sflag:s11], $0x6400  }
0x2d: {  	[sflag:s11] =	ssyncset.done $0x0;
	s8 =	rddreg [dreg:$0x8]  }
0x2e: {  	s31 =	smov.u32 s10;
	s7 =	rddreg [dreg:$0x7];
	[sflag:s11] =	ssyncadd.s32 $0xFFFF9C00  }
0x2f: {  	[tilespmem:s13], [sflag:$0x1] =	stream.indirect.gather [hbm4b:s1+s12], $0x80, s3, s12, $0xb8;
	[tilespmem:$0x1E400] =	vst v63  }
0x30: {  	s9 =	smov.u32 s2;
	s5 =	simm.s32 $0x0;
	s6 =	rddreg [dreg:$0x6]  }
0x31: {  	[tilespmem:s14], [sflag:$0x2] =	stream.indirect.gather [hbm4b:s1+s12], $0x80, s12, s12, $0xb8;
	[tilespmem:$0x1E400] =	vst v63  }
.LBB2_2:
0x32: {  	_ =	swait.ge [sflag:s15], $0x4000  }
0x33: {  	p0 =	seq.s32 s5, $0x0;
	[sflag:s15] =	ssyncset.done $0x0  }
0x34: {  	s4 =	simm.s32 @!p0 $0x6;
	[sflag:s15] =	ssyncadd.s32 $0xFFFFC000  }
0x35: {  	_ =	swait.ge @!p0 [sflag:s4], $0x4000  }
0x36: {  	[sflag:s4] =	ssyncset.done @!p0 $0x0  }
0x37: {  	[sflag:s4] =	ssyncadd.s32 @!p0 $0xFFFFC000;
	s4 =	sshra.s32 s5, $0x2  }
0x38: {  	[hbm4b:s6+s3] =	stream.linear.scatter [tilespmem:s16], [sflag:$0x6], $0x4000, $0x38;
	[tilespmem:$0x1E400] =	vst v63  }
0x39: {  	s0 =	sadd.s32 $0x100, s4  }
0x3a: {  	[tilespmem:s17], [sflag:$0x3] =	stream.indirect.gather [hbm4b:s1+s12], $0x80, s0, s12, $0xb8;
	[tilespmem:$0x1E400] =	vst v63  }
0x3b: {  	_ =	swait.ge [sflag:s18], $0x4000  }
0x3c: {  	[sflag:s18] =	ssyncset.done $0x0  }
0x3d: {  	s0 =	simm.s32 @!p0 $0x7;
	[sflag:s18] =	ssyncadd.s32 $0xFFFFC000  }
0x3e: {  	_ =	swait.ge @!p0 [sflag:s0], $0x4000  }
0x3f: {  	[sflag:s0] =	ssyncset.done @!p0 $0x0  }
0x40: {  	[sflag:s0] =	ssyncadd.s32 @!p0 $0xFFFFC000  }
0x41: {  	[hbm4b:s31+s3] =	stream.linear.scatter [tilespmem:s16], [sflag:$0x7], $0x4000, $0x38;
	[tilespmem:$0x1E400] =	vst v63  }
0x42: {  	s0 =	sadd.s32 $0x180, s4  }
0x43: {  	[tilespmem:s19], [sflag:$0x4] =	stream.indirect.gather [hbm4b:s1+s12], $0x80, s0, s12, $0xb8;
	[tilespmem:$0x1E400] =	vst v63  }
0x44: {  	_ =	swait.ge [sflag:s20], $0x4000  }
0x45: {  	[sflag:s20] =	ssyncset.done $0x0  }
0x46: {  	s0 =	simm.s32 @!p0 $0x8;
	[sflag:s20] =	ssyncadd.s32 $0xFFFFC000  }
0x47: {  	_ =	swait.ge @!p0 [sflag:s0], $0x4000  }
0x48: {  	[sflag:s0] =	ssyncset.done @!p0 $0x0  }
0x49: {  	[sflag:s0] =	ssyncadd.s32 @!p0 $0xFFFFC000  }
0x4a: {  	[hbm4b:s9+s3] =	stream.linear.scatter [tilespmem:s16], [sflag:$0x8], $0x4000, $0x38;
	[tilespmem:$0x1E400] =	vst v63  }
0x4b: {  	s0 =	sadd.s32 $0x200, s4  }
0x4c: {  	[tilespmem:s21], [sflag:$0x5] =	stream.indirect.gather [hbm4b:s1+s12], $0x80, s0, s12, $0xb8;
	[tilespmem:$0x1E400] =	vst v63  }
0x4d: {  	_ =	swait.ge [sflag:s22], $0x4000  }
0x4e: {  	p1 =	sne.s32 s5, $0x18600;
	[sflag:s22] =	ssyncset.done $0x0  }
.Ltmp2:
0x4f: {  	s0 =	simm.s32 @!p0 $0x9;
	[sflag:s22] =	ssyncadd.s32 $0xFFFFC000;
	(pc) =	sbr.rel @p1 .LBB2_4-.Ltmp2, $4  }
0x50: {  	_ =	swait.ge @!p0 [sflag:s0], $0x4000  }
0x51: {  	[sflag:s0] =	ssyncset.done @!p0 $0x0  }
0x52: {  	[sflag:s0] =	ssyncadd.s32 @!p0 $0xFFFFC000  }
0x53: {  	[hbm4b:s8+s3] =	stream.linear.scatter [tilespmem:s16], [sflag:$0x9], $0x4000, $0x38;
	[tilespmem:$0x1E400] =	vst v63  }
.Ltmp3:
0x54: {  	(pc) =	sbr.rel .LBB2_5-.Ltmp3, $4  }
0x55: {  	_ = 	snop  }
0x56: {  	_ =	swait.ge [sflag:s23], $0x4000  }
0x57: {  	[sflag:s23] =	ssyncset.done $0x0  }
0x58: {  	[sflag:s23] =	ssyncadd.s32 $0xFFFFC000  }
.LBB2_4:
.Ltmp4:
0x59: {  	s0 =	sadd.s32 $0x280, s4;
	(pc) =	sbr.rel @p0 .LBB2_6-.Ltmp4, $4  }
0x5a: {  	[tilespmem:s13], [sflag:$0x1] =	stream.indirect.gather [hbm4b:s1+s12], $0x80, s0, s12, $0xb8;
	[tilespmem:$0x1E400] =	vst v63  }
0x5b: {  	_ =	swait.ge [sflag:s23], $0x4000  }
0x5c: {  	[sflag:s23] =	ssyncset.done $0x0  }
0x5d: {  	[sflag:s23] =	ssyncadd.s32 $0xFFFFC000  }
.LBB2_5:
0x5e: {  	_ =	swait.ge [sflag:s24], $0x4000  }
0x5f: {  	[sflag:s24] =	ssyncset.done $0x0  }
0x60: {  	[sflag:s24] =	ssyncadd.s32 $0xFFFFC000  }
.LBB2_6:
0x61: {  	p0 =	seq.s32 s5, $0x18600  }
.Ltmp5:
0x62: {  	_ = 	snop;
	(pc) =	sbr.rel @p0 .LBB2_8-.Ltmp5, $2  }
0x63: {  	_ =	sdelay $0x2  }
0x64: {  	[hbm4b:s7+s3] =	stream.linear.scatter [tilespmem:s16], [sflag:$0xA], $0x4000, $0x38;
	[tilespmem:$0x1E400] =	vst v63  }
.Ltmp6:
0x65: {  	(pc) =	sbr.rel .LBB2_2-.Ltmp6, $4  }
0x66: {  	s0 =	sadd.s32 $0x300, s4  }
0x67: {  	s5 =	sadd.s32 $0xA00, s5;
	s6 =	sadd.s32 $0x2800, s6;
	s7 =	sadd.s32 $0x2800, s7  }
0x68: {  	s8 =	sadd.s32 $0x2800, s8;
	s9 =	sadd.s32 $0x2800, s9;
	s31 =	sadd.s32 $0x2800, s31  }
0x69: {  	[tilespmem:s14], [sflag:$0x2] =	stream.indirect.gather [hbm4b:s1+s12], $0x80, s0, s12, $0xb8;
	[tilespmem:$0x1E400] =	vst v63  }
.LBB2_9:
0x6a: {  	_ =	sfence.sel $0x180000  }
0x6b: {  	[bflag:$0x0] =	sbarrier.arrive $0xFFFF  }
0x6c: {  	_ =	strace $0x90000047  }
0x6d: {  	s0 =	stileid.u32;
	[bflag:$0x2] =	sbarrier.arrive $0xFFFF  }
0x6e: {  	p0 =	sne.s32 s0, $0x0;
	s0 =	rddreg [dreg:$0x3]  }
0x6f: {  	s0 =	sadd.s32 @!p0 $0x100000, s0  }
0x70: {  	[sflag:s0] =	ssyncadd.tile.s32 @!p0 $0x1;
	_ =	shalt  }
.Lfunc_end2:
_tile_overlayer_lowered:
.L_overlay_start_2:
0x71: {  	(tag) =	ssettag $0x2  }
0x72: {  	s0 =	rddreg [dreg:$0x0];
	s2 =	stileid.u32  }
0x73: {  	s1 =	rddreg [dreg:$0x1];
	p0 =	sne.s32 s2, $0x0  }
0x74: {  	s3 =	rddreg [dreg:$0x2];
	[bflag:$0x3] =	sbarrier.arrive $0xFFFF;
	s2 =	simm.s32 @!p0 $0x1C0B  }
0x75: {  	[timem:s3], [sflag:s2] =	dma.local @!p0 [hbm:s0], s1  }
0x76: {  	s0 =	simm.s32 @!p0 $0xB  }
0x77: {  	_ =	swait.ge @!p0 [sflag:s0], s1  }
0x78: {  	s1 =	ssub.s32 @!p0 $0x0, s1;
	[sflag:s0] =	ssyncset.done @!p0 $0x0  }
0x79: {  	[sflag:s0] =	ssyncadd.s32 @!p0 s1  }
0x7a: {  	[bflag:$0x3] =	sbarrier.arrive $0xFFFF  }
0x7b: {  	_ =	shalt  }

</sc_bundles>
